<compile_context>
chip_gen: v7x
topology: tpu7x:2x2x1
jax: 0.10.2.dev20260603
libtpu: 0.0.44.dev20260713+nightly
codegen_flags: <defaults>
</compile_context>

<pallas_src>
import functools

import jax
import jax.numpy as jnp
from jax import lax
from jax.experimental import pallas as pl
from jax.experimental.pallas import tpu as pltpu
from jax.experimental.pallas import tpu_sc as plsc

D_MODEL = 128
NUM_WORKERS = 32
CHUNK = 128
NBUF = 6
LOOKAHEAD = NBUF // 2


def _emb_body(idx_hbm, table_hbm, out_hbm, idx_v, rows_v, *sems):
    gsems = sems[:NBUF]
    wsems = sems[NBUF:]
    nc = 2
    wid = lax.axis_index("s") * nc + lax.axis_index("c")
    pltpu.sync_copy(idx_hbm.at[wid], idx_v)
    n = idx_v.shape[0]
    base = wid * n * CHUNK
    L = LOOKAHEAD

    def start_g(jj, b):
        pltpu.async_copy(table_hbm.at[idx_v.at[jj]], rows_v.at[b], gsems[b])

    def wait_g(b):
        pltpu.make_async_copy(table_hbm.at[idx_v.at[0]], rows_v.at[b],
                              gsems[b]).wait()

    def start_w(jj, b):
        pltpu.async_copy(rows_v.at[b],
                         out_hbm.at[pl.ds(base + jj * CHUNK, CHUNK)], wsems[b])

    def wait_w(b):
        pltpu.make_async_copy(rows_v.at[b], out_hbm.at[pl.ds(0, CHUNK)],
                              wsems[b]).wait()

    jj0 = NBUF - L
    m = (n - jj0 - L) // NBUF
    tail = jj0 + m * NBUF

    for jj in range(L):
        start_g(jj, jj % NBUF)
    for jj in range(jj0):
        wait_g(jj % NBUF)
        start_w(jj, jj % NBUF)
        start_g(jj + L, (jj + L) % NBUF)

    def body(i, carry):
        j0 = jj0 + i * NBUF
        for off in range(NBUF):
            jj = j0 + off
            b = (jj0 + off) % NBUF
            wait_g(b)
            start_w(jj, b)
            b2 = (b + L) % NBUF
            wait_w(b2)
            start_g(jj + L, b2)
        return carry

    lax.fori_loop(0, m, body, 0)

    for jj in range(tail, n):
        b = jj % NBUF
        wait_g(b)
        start_w(jj, b)
        wait_w((b + L) % NBUF)
        if jj + L < n:
            start_g(jj + L, (jj + L) % NBUF)
    for jj in range(n - NBUF + L, n):
        wait_w(jj % NBUF)


@functools.partial(jax.jit, static_argnums=())
def _emb_call(idx3, weights):
    n_chunks = idx3.shape[1]
    total = NUM_WORKERS * n_chunks * CHUNK
    mesh = plsc.VectorSubcoreMesh(core_axis_name="c", subcore_axis_name="s")
    f = pl.kernel(
        _emb_body,
        mesh=mesh,
        out_type=jax.ShapeDtypeStruct((total, D_MODEL), jnp.float32),
        scratch_types=[
            pltpu.VMEM((n_chunks, CHUNK), jnp.int32),
            pltpu.VMEM((NBUF, CHUNK, D_MODEL), jnp.float32),
        ] + [pltpu.SemaphoreType.DMA] * (2 * NBUF),
    )
    return f(idx3, weights)


def kernel(token_ids, weights):
    b, s = token_ids.shape
    idx3 = token_ids.astype(jnp.int32).reshape(NUM_WORKERS, -1, CHUNK)
    out = _emb_call(idx3, weights)
    return out.reshape(b, s, D_MODEL)

# --- scband reference (transcript-rebuilt; emitter-appended) ---
"""Pipeline reference for scband-embedding-17626545782950 (READ-ONLY COPY).

The authoritative reference and input builder live on the scoring server;
editing this copy changes nothing except your own understanding.
"""

import jax, jax.numpy as jnp
import numpy as np

VOCAB_SIZE = 100000
D_MODEL = 128
PAD_ID = 0


def setup_inputs(seed: int = 0) -> dict:
    key = jax.random.key(seed)
    k_idx, k_w = jax.random.split(key)
    token_ids = jax.random.randint(k_idx, (4096, 200), 0, VOCAB_SIZE, dtype=jnp.int64 if jax.config.jax_enable_x64 else jnp.int32)
    weights = jax.random.normal(k_w, (VOCAB_SIZE, D_MODEL), dtype=jnp.float32) * 0.02
    # pad row is zeroed at init, matching torch __init__
    weights = weights.at[PAD_ID].set(0.0)
    return {"token_ids": token_ids, "weights": weights}


def reference(token_ids, weights):
    # output = self.weights[token_ids]
    output = jnp.take(weights, token_ids, axis=0)
    # torch forward re-zeros pad row under no_grad; row is already zero,
    # so the lookup output is unaffected. Return lookup result.
    return output

if __name__ == "__main__":
    import jax
    _d = setup_inputs()
    print(jax.jit(kernel)(*tuple(_d.values())))

</pallas_src>

<mosaic_0001>
#map = affine_map<(d0, d1) -> (0, 0, 0)>
#map1 = affine_map<(d0, d1) -> (0, 0)>
module attributes {stable_mosaic.version = 14 : i64} {
  func.func @_emb_body(%arg0: i32, %arg1: i32, %arg2: memref<32x200x128xi32, #tpu.memory_space<hbm>>, %arg3: memref<100000x128xf32, #tpu.memory_space<hbm>>, %arg4: memref<819200x128xf32, #tpu.memory_space<hbm>>, %arg5: memref<200x128xi32, #tpu.memory_space<vmem>>, %arg6: memref<6x128x128xf32, #tpu.memory_space<vmem>>, %arg7: memref<!tpu.dma_semaphore, #tpu.memory_space<semaphore_mem>>, %arg8: memref<!tpu.dma_semaphore, #tpu.memory_space<semaphore_mem>>, %arg9: memref<!tpu.dma_semaphore, #tpu.memory_space<semaphore_mem>>, %arg10: memref<!tpu.dma_semaphore, #tpu.memory_space<semaphore_mem>>, %arg11: memref<!tpu.dma_semaphore, #tpu.memory_space<semaphore_mem>>, %arg12: memref<!tpu.dma_semaphore, #tpu.memory_space<semaphore_mem>>, %arg13: memref<!tpu.dma_semaphore, #tpu.memory_space<semaphore_mem>>, %arg14: memref<!tpu.dma_semaphore, #tpu.memory_space<semaphore_mem>>, %arg15: memref<!tpu.dma_semaphore, #tpu.memory_space<semaphore_mem>>, %arg16: memref<!tpu.dma_semaphore, #tpu.memory_space<semaphore_mem>>, %arg17: memref<!tpu.dma_semaphore, #tpu.memory_space<semaphore_mem>>, %arg18: memref<!tpu.dma_semaphore, #tpu.memory_space<semaphore_mem>>) attributes {dimension_semantics = [#tpu.dimension_semantics<core_parallel>, #tpu.dimension_semantics<subcore_parallel>], iteration_bounds = array<i64: 2, 16>, scalar_prefetch = 0 : i64, scratch_operands = 14 : i64, tpu.core_type = #tpu.core_type<sc_vector_subcore>, window_params = [{transform_indices = #map}, {transform_indices = #map1}, {transform_indices = #map1}]} {
    %mul3A = arith.constant 2 : i32
    %mul3A_0 = arith.muli %arg1, %mul3A : i32
    %add3A = arith.addi %mul3A_0, %arg0 : i32
    "tpu.region"() ({
      %run_scoped3A = tpu.sem_alloc : memref<!tpu.dma_semaphore, #tpu.memory_space<semaphore_mem>>
      %dma_start3A_440 = arith.constant 0 : i32
      %dma_start3A_441 = arith.constant 0 : i32
      %dma_start3A_442 = tpu.memref_slice %arg2[%add3A, %dma_start3A_440, %dma_start3A_441] : memref<32x200x128xi32, #tpu.memory_space<hbm>> -> memref<1x200x128xi32, #tpu.memory_space<hbm>>
      %dma_start3A_443 = tpu.memref_squeeze %dma_start3A_442 : memref<1x200x128xi32, #tpu.memory_space<hbm>> -> memref<200x128xi32, #tpu.memory_space<hbm>>
      %dma_start3A_444 = arith.constant 0 : i32
      %dma_start3A_445 = arith.constant 0 : i32
      %dma_start3A_446 = tpu.memref_slice %arg2[%add3A, %dma_start3A_444, %dma_start3A_445] : memref<32x200x128xi32, #tpu.memory_space<hbm>> -> memref<1x200x128xi32, #tpu.memory_space<hbm>>
      %dma_start3A_447 = tpu.memref_squeeze %dma_start3A_446 : memref<1x200x128xi32, #tpu.memory_space<hbm>> -> memref<200x128xi32, #tpu.memory_space<hbm>>
      tpu.enqueue_dma source(%dma_start3A_447 : memref<200x128xi32, #tpu.memory_space<hbm>>) target(%arg5 : memref<200x128xi32, #tpu.memory_space<vmem>>) target_semaphore(%run_scoped3A : memref<!tpu.dma_semaphore, #tpu.memory_space<semaphore_mem>>)
      %dma_wait3A_448 = arith.constant 0 : i32
      %dma_wait3A_449 = arith.constant 0 : i32
      %dma_wait3A_450 = tpu.memref_slice %arg2[%add3A, %dma_wait3A_448, %dma_wait3A_449] : memref<32x200x128xi32, #tpu.memory_space<hbm>> -> memref<1x200x128xi32, #tpu.memory_space<hbm>>
      %dma_wait3A_451 = tpu.memref_squeeze %dma_wait3A_450 : memref<1x200x128xi32, #tpu.memory_space<hbm>> -> memref<200x128xi32, #tpu.memory_space<hbm>>
      %dma_wait3A_452 = arith.constant 0 : i32
      %dma_wait3A_453 = arith.constant 0 : i32
      %dma_wait3A_454 = tpu.memref_slice %arg2[%add3A, %dma_wait3A_452, %dma_wait3A_453] : memref<32x200x128xi32, #tpu.memory_space<hbm>> -> memref<1x200x128xi32, #tpu.memory_space<hbm>>
      %dma_wait3A_455 = tpu.memref_squeeze %dma_wait3A_454 : memref<1x200x128xi32, #tpu.memory_space<hbm>> -> memref<200x128xi32, #tpu.memory_space<hbm>>
      tpu.wait_dma2 semaphore(%run_scoped3A : memref<!tpu.dma_semaphore, #tpu.memory_space<semaphore_mem>>) src(%dma_wait3A_455 : memref<200x128xi32, #tpu.memory_space<hbm>>) dst(%arg5 : memref<200x128xi32, #tpu.memory_space<vmem>>)
      tpu.yield
    }) : () -> ()
    %mul3A_1 = arith.constant 200 : i32
    %mul3A_2 = arith.muli %add3A, %mul3A_1 : i32
    %mul3A_3 = arith.constant 128 : i32
    %mul3A_4 = arith.muli %mul3A_2, %mul3A_3 : i32
    %dma_start3A = arith.constant 0 : i32
    %dma_start3A_5 = arith.constant 0 : i32
    %dma_start3A_6 = arith.constant 0 : i32
    %dma_start3A_7 = arith.constant 0 : i32
    %dma_start3A_8 = tpu.memref_slice %arg6[%dma_start3A_5, %dma_start3A_6, %dma_start3A_7] : memref<6x128x128xf32, #tpu.memory_space<vmem>> -> memref<1x128x128xf32, #tpu.memory_space<vmem>>
    %dma_start3A_9 = tpu.memref_squeeze %dma_start3A_8 : memref<1x128x128xf32, #tpu.memory_space<vmem>> -> memref<128x128xf32, #tpu.memory_space<vmem>>
    %dma_start3A_10 = arith.constant 0 : i32
    %dma_start3A_11 = tpu.memref_slice %arg5[%dma_start3A, %dma_start3A_10] : memref<200x128xi32, #tpu.memory_space<vmem>> -> memref<1x128xi32, #tpu.memory_space<vmem>>
    %dma_start3A_12 = tpu.memref_squeeze %dma_start3A_11 : memref<1x128xi32, #tpu.memory_space<vmem>> -> memref<128xi32, #tpu.memory_space<vmem>>
    %dma_start3A_13 = arith.constant 0 : i32
    %dma_start3A_14 = arith.constant 0 : i32
    %dma_start3A_15 = tpu.memref_slice %arg3[%dma_start3A_13, %dma_start3A_14] : memref<100000x128xf32, #tpu.memory_space<hbm>> -> memref<100000x128xf32, #tpu.memory_space<hbm>>
    tpu.enqueue_indirect_dma source(%dma_start3A_15 : memref<100000x128xf32, #tpu.memory_space<hbm>>) target(%dma_start3A_9 : memref<128x128xf32, #tpu.memory_space<vmem>>) offsets(%dma_start3A_12 : memref<128xi32, #tpu.memory_space<vmem>>) semaphore(%arg7 : memref<!tpu.dma_semaphore, #tpu.memory_space<semaphore_mem>>)
    %dma_start3A_16 = arith.constant 1 : i32
    %dma_start3A_17 = arith.constant 1 : i32
    %dma_start3A_18 = arith.constant 0 : i32
    %dma_start3A_19 = arith.constant 0 : i32
    %dma_start3A_20 = tpu.memref_slice %arg6[%dma_start3A_17, %dma_start3A_18, %dma_start3A_19] : memref<6x128x128xf32, #tpu.memory_space<vmem>> -> memref<1x128x128xf32, #tpu.memory_space<vmem>>
    %dma_start3A_21 = tpu.memref_squeeze %dma_start3A_20 : memref<1x128x128xf32, #tpu.memory_space<vmem>> -> memref<128x128xf32, #tpu.memory_space<vmem>>
    %dma_start3A_22 = arith.constant 0 : i32
    %dma_start3A_23 = tpu.memref_slice %arg5[%dma_start3A_16, %dma_start3A_22] : memref<200x128xi32, #tpu.memory_space<vmem>> -> memref<1x128xi32, #tpu.memory_space<vmem>>
    %dma_start3A_24 = tpu.memref_squeeze %dma_start3A_23 : memref<1x128xi32, #tpu.memory_space<vmem>> -> memref<128xi32, #tpu.memory_space<vmem>>
    %dma_start3A_25 = arith.constant 0 : i32
    %dma_start3A_26 = arith.constant 0 : i32
    %dma_start3A_27 = tpu.memref_slice %arg3[%dma_start3A_25, %dma_start3A_26] : memref<100000x128xf32, #tpu.memory_space<hbm>> -> memref<100000x128xf32, #tpu.memory_space<hbm>>
    tpu.enqueue_indirect_dma source(%dma_start3A_27 : memref<100000x128xf32, #tpu.memory_space<hbm>>) target(%dma_start3A_21 : memref<128x128xf32, #tpu.memory_space<vmem>>) offsets(%dma_start3A_24 : memref<128xi32, #tpu.memory_space<vmem>>) semaphore(%arg8 : memref<!tpu.dma_semaphore, #tpu.memory_space<semaphore_mem>>)
    %dma_start3A_28 = arith.constant 2 : i32
    %dma_start3A_29 = arith.constant 2 : i32
    %dma_start3A_30 = arith.constant 0 : i32
    %dma_start3A_31 = arith.constant 0 : i32
    %dma_start3A_32 = tpu.memref_slice %arg6[%dma_start3A_29, %dma_start3A_30, %dma_start3A_31] : memref<6x128x128xf32, #tpu.memory_space<vmem>> -> memref<1x128x128xf32, #tpu.memory_space<vmem>>
    %dma_start3A_33 = tpu.memref_squeeze %dma_start3A_32 : memref<1x128x128xf32, #tpu.memory_space<vmem>> -> memref<128x128xf32, #tpu.memory_space<vmem>>
    %dma_start3A_34 = arith.constant 0 : i32
    %dma_start3A_35 = tpu.memref_slice %arg5[%dma_start3A_28, %dma_start3A_34] : memref<200x128xi32, #tpu.memory_space<vmem>> -> memref<1x128xi32, #tpu.memory_space<vmem>>
    %dma_start3A_36 = tpu.memref_squeeze %dma_start3A_35 : memref<1x128xi32, #tpu.memory_space<vmem>> -> memref<128xi32, #tpu.memory_space<vmem>>
    %dma_start3A_37 = arith.constant 0 : i32
    %dma_start3A_38 = arith.constant 0 : i32
    %dma_start3A_39 = tpu.memref_slice %arg3[%dma_start3A_37, %dma_start3A_38] : memref<100000x128xf32, #tpu.memory_space<hbm>> -> memref<100000x128xf32, #tpu.memory_space<hbm>>
    tpu.enqueue_indirect_dma source(%dma_start3A_39 : memref<100000x128xf32, #tpu.memory_space<hbm>>) target(%dma_start3A_33 : memref<128x128xf32, #tpu.memory_space<vmem>>) offsets(%dma_start3A_36 : memref<128xi32, #tpu.memory_space<vmem>>) semaphore(%arg9 : memref<!tpu.dma_semaphore, #tpu.memory_space<semaphore_mem>>)
    %dma_wait3A = arith.constant 0 : i32
    %dma_wait3A_40 = arith.constant 0 : i32
    %dma_wait3A_41 = arith.constant 0 : i32
    %dma_wait3A_42 = arith.constant 0 : i32
    %dma_wait3A_43 = tpu.memref_slice %arg6[%dma_wait3A_40, %dma_wait3A_41, %dma_wait3A_42] : memref<6x128x128xf32, #tpu.memory_space<vmem>> -> memref<1x128x128xf32, #tpu.memory_space<vmem>>
    %dma_wait3A_44 = tpu.memref_squeeze %dma_wait3A_43 : memref<1x128x128xf32, #tpu.memory_space<vmem>> -> memref<128x128xf32, #tpu.memory_space<vmem>>
    %dma_wait3A_45 = arith.constant 0 : i32
    %dma_wait3A_46 = tpu.memref_slice %arg5[%dma_wait3A, %dma_wait3A_45] : memref<200x128xi32, #tpu.memory_space<vmem>> -> memref<1x128xi32, #tpu.memory_space<vmem>>
    %dma_wait3A_47 = tpu.memref_squeeze %dma_wait3A_46 : memref<1x128xi32, #tpu.memory_space<vmem>> -> memref<128xi32, #tpu.memory_space<vmem>>
    %dma_wait3A_48 = arith.constant 0 : i32
    %dma_wait3A_49 = arith.constant 0 : i32
    %dma_wait3A_50 = tpu.memref_slice %arg3[%dma_wait3A_48, %dma_wait3A_49] : memref<100000x128xf32, #tpu.memory_space<hbm>> -> memref<100000x128xf32, #tpu.memory_space<hbm>>
    tpu.wait_indirect_dma semaphore(%arg7 : memref<!tpu.dma_semaphore, #tpu.memory_space<semaphore_mem>>) src(%dma_wait3A_50 : memref<100000x128xf32, #tpu.memory_space<hbm>>) dst(%dma_wait3A_44 : memref<128x128xf32, #tpu.memory_space<vmem>>)
    %add3A_51 = arith.constant 0 : i32
    %add3A_52 = arith.addi %mul3A_4, %add3A_51 : i32
    %dma_start3A_53 = arith.constant 0 : i32
    %dma_start3A_54 = arith.constant 0 : i32
    %dma_start3A_55 = arith.constant 0 : i32
    %dma_start3A_56 = tpu.memref_slice %arg6[%dma_start3A_53, %dma_start3A_54, %dma_start3A_55] : memref<6x128x128xf32, #tpu.memory_space<vmem>> -> memref<1x128x128xf32, #tpu.memory_space<vmem>>
    %dma_start3A_57 = tpu.memref_squeeze %dma_start3A_56 : memref<1x128x128xf32, #tpu.memory_space<vmem>> -> memref<128x128xf32, #tpu.memory_space<vmem>>
    %dma_start3A_58 = arith.constant 0 : i32
    %dma_start3A_59 = tpu.memref_slice %arg4[%add3A_52, %dma_start3A_58] : memref<819200x128xf32, #tpu.memory_space<hbm>> -> memref<128x128xf32, #tpu.memory_space<hbm>>
    %dma_start3A_60 = arith.constant 0 : i32
    %dma_start3A_61 = tpu.memref_slice %arg4[%add3A_52, %dma_start3A_60] : memref<819200x128xf32, #tpu.memory_space<hbm>> -> memref<128x128xf32, #tpu.memory_space<hbm>>
    %dma_start3A_62 = arith.constant 0 : i32
    %dma_start3A_63 = arith.constant 0 : i32
    %dma_start3A_64 = tpu.memref_slice %arg6[%dma_start3A_53, %dma_start3A_62, %dma_start3A_63] : memref<6x128x128xf32, #tpu.memory_space<vmem>> -> memref<1x128x128xf32, #tpu.memory_space<vmem>>
    %dma_start3A_65 = tpu.memref_squeeze %dma_start3A_64 : memref<1x128x128xf32, #tpu.memory_space<vmem>> -> memref<128x128xf32, #tpu.memory_space<vmem>>
    tpu.enqueue_dma source(%dma_start3A_65 : memref<128x128xf32, #tpu.memory_space<vmem>>) target(%dma_start3A_61 : memref<128x128xf32, #tpu.memory_space<hbm>>) target_semaphore(%arg13 : memref<!tpu.dma_semaphore, #tpu.memory_space<semaphore_mem>>)
    %dma_start3A_66 = arith.constant 3 : i32
    %dma_start3A_67 = arith.constant 3 : i32
    %dma_start3A_68 = arith.constant 0 : i32
    %dma_start3A_69 = arith.constant 0 : i32
    %dma_start3A_70 = tpu.memref_slice %arg6[%dma_start3A_67, %dma_start3A_68, %dma_start3A_69] : memref<6x128x128xf32, #tpu.memory_space<vmem>> -> memref<1x128x128xf32, #tpu.memory_space<vmem>>
    %dma_start3A_71 = tpu.memref_squeeze %dma_start3A_70 : memref<1x128x128xf32, #tpu.memory_space<vmem>> -> memref<128x128xf32, #tpu.memory_space<vmem>>
    %dma_start3A_72 = arith.constant 0 : i32
    %dma_start3A_73 = tpu.memref_slice %arg5[%dma_start3A_66, %dma_start3A_72] : memref<200x128xi32, #tpu.memory_space<vmem>> -> memref<1x128xi32, #tpu.memory_space<vmem>>
    %dma_start3A_74 = tpu.memref_squeeze %dma_start3A_73 : memref<1x128xi32, #tpu.memory_space<vmem>> -> memref<128xi32, #tpu.memory_space<vmem>>
    %dma_start3A_75 = arith.constant 0 : i32
    %dma_start3A_76 = arith.constant 0 : i32
    %dma_start3A_77 = tpu.memref_slice %arg3[%dma_start3A_75, %dma_start3A_76] : memref<100000x128xf32, #tpu.memory_space<hbm>> -> memref<100000x128xf32, #tpu.memory_space<hbm>>
    tpu.enqueue_indirect_dma source(%dma_start3A_77 : memref<100000x128xf32, #tpu.memory_space<hbm>>) target(%dma_start3A_71 : memref<128x128xf32, #tpu.memory_space<vmem>>) offsets(%dma_start3A_74 : memref<128xi32, #tpu.memory_space<vmem>>) semaphore(%arg10 : memref<!tpu.dma_semaphore, #tpu.memory_space<semaphore_mem>>)
    %dma_wait3A_78 = arith.constant 0 : i32
    %dma_wait3A_79 = arith.constant 1 : i32
    %dma_wait3A_80 = arith.constant 0 : i32
    %dma_wait3A_81 = arith.constant 0 : i32
    %dma_wait3A_82 = tpu.memref_slice %arg6[%dma_wait3A_79, %dma_wait3A_80, %dma_wait3A_81] : memref<6x128x128xf32, #tpu.memory_space<vmem>> -> memref<1x128x128xf32, #tpu.memory_space<vmem>>
    %dma_wait3A_83 = tpu.memref_squeeze %dma_wait3A_82 : memref<1x128x128xf32, #tpu.memory_space<vmem>> -> memref<128x128xf32, #tpu.memory_space<vmem>>
    %dma_wait3A_84 = arith.constant 0 : i32
    %dma_wait3A_85 = tpu.memref_slice %arg5[%dma_wait3A_78, %dma_wait3A_84] : memref<200x128xi32, #tpu.memory_space<vmem>> -> memref<1x128xi32, #tpu.memory_space<vmem>>
    %dma_wait3A_86 = tpu.memref_squeeze %dma_wait3A_85 : memref<1x128xi32, #tpu.memory_space<vmem>> -> memref<128xi32, #tpu.memory_space<vmem>>
    %dma_wait3A_87 = arith.constant 0 : i32
    %dma_wait3A_88 = arith.constant 0 : i32
    %dma_wait3A_89 = tpu.memref_slice %arg3[%dma_wait3A_87, %dma_wait3A_88] : memref<100000x128xf32, #tpu.memory_space<hbm>> -> memref<100000x128xf32, #tpu.memory_space<hbm>>
    tpu.wait_indirect_dma semaphore(%arg8 : memref<!tpu.dma_semaphore, #tpu.memory_space<semaphore_mem>>) src(%dma_wait3A_89 : memref<100000x128xf32, #tpu.memory_space<hbm>>) dst(%dma_wait3A_83 : memref<128x128xf32, #tpu.memory_space<vmem>>)
    %add3A_90 = arith.constant 128 : i32
    %add3A_91 = arith.addi %mul3A_4, %add3A_90 : i32
    %dma_start3A_92 = arith.constant 1 : i32
    %dma_start3A_93 = arith.constant 0 : i32
    %dma_start3A_94 = arith.constant 0 : i32
    %dma_start3A_95 = tpu.memref_slice %arg6[%dma_start3A_92, %dma_start3A_93, %dma_start3A_94] : memref<6x128x128xf32, #tpu.memory_space<vmem>> -> memref<1x128x128xf32, #tpu.memory_space<vmem>>
    %dma_start3A_96 = tpu.memref_squeeze %dma_start3A_95 : memref<1x128x128xf32, #tpu.memory_space<vmem>> -> memref<128x128xf32, #tpu.memory_space<vmem>>
    %dma_start3A_97 = arith.constant 0 : i32
    %dma_start3A_98 = tpu.memref_slice %arg4[%add3A_91, %dma_start3A_97] : memref<819200x128xf32, #tpu.memory_space<hbm>> -> memref<128x128xf32, #tpu.memory_space<hbm>>
    %dma_start3A_99 = arith.constant 0 : i32
    %dma_start3A_100 = tpu.memref_slice %arg4[%add3A_91, %dma_start3A_99] : memref<819200x128xf32, #tpu.memory_space<hbm>> -> memref<128x128xf32, #tpu.memory_space<hbm>>
    %dma_start3A_101 = arith.constant 0 : i32
    %dma_start3A_102 = arith.constant 0 : i32
    %dma_start3A_103 = tpu.memref_slice %arg6[%dma_start3A_92, %dma_start3A_101, %dma_start3A_102] : memref<6x128x128xf32, #tpu.memory_space<vmem>> -> memref<1x128x128xf32, #tpu.memory_space<vmem>>
    %dma_start3A_104 = tpu.memref_squeeze %dma_start3A_103 : memref<1x128x128xf32, #tpu.memory_space<vmem>> -> memref<128x128xf32, #tpu.memory_space<vmem>>
    tpu.enqueue_dma source(%dma_start3A_104 : memref<128x128xf32, #tpu.memory_space<vmem>>) target(%dma_start3A_100 : memref<128x128xf32, #tpu.memory_space<hbm>>) target_semaphore(%arg14 : memref<!tpu.dma_semaphore, #tpu.memory_space<semaphore_mem>>)
    %dma_start3A_105 = arith.constant 4 : i32
    %dma_start3A_106 = arith.constant 4 : i32
    %dma_start3A_107 = arith.constant 0 : i32
    %dma_start3A_108 = arith.constant 0 : i32
    %dma_start3A_109 = tpu.memref_slice %arg6[%dma_start3A_106, %dma_start3A_107, %dma_start3A_108] : memref<6x128x128xf32, #tpu.memory_space<vmem>> -> memref<1x128x128xf32, #tpu.memory_space<vmem>>
    %dma_start3A_110 = tpu.memref_squeeze %dma_start3A_109 : memref<1x128x128xf32, #tpu.memory_space<vmem>> -> memref<128x128xf32, #tpu.memory_space<vmem>>
    %dma_start3A_111 = arith.constant 0 : i32
    %dma_start3A_112 = tpu.memref_slice %arg5[%dma_start3A_105, %dma_start3A_111] : memref<200x128xi32, #tpu.memory_space<vmem>> -> memref<1x128xi32, #tpu.memory_space<vmem>>
    %dma_start3A_113 = tpu.memref_squeeze %dma_start3A_112 : memref<1x128xi32, #tpu.memory_space<vmem>> -> memref<128xi32, #tpu.memory_space<vmem>>
    %dma_start3A_114 = arith.constant 0 : i32
    %dma_start3A_115 = arith.constant 0 : i32
    %dma_start3A_116 = tpu.memref_slice %arg3[%dma_start3A_114, %dma_start3A_115] : memref<100000x128xf32, #tpu.memory_space<hbm>> -> memref<100000x128xf32, #tpu.memory_space<hbm>>
    tpu.enqueue_indirect_dma source(%dma_start3A_116 : memref<100000x128xf32, #tpu.memory_space<hbm>>) target(%dma_start3A_110 : memref<128x128xf32, #tpu.memory_space<vmem>>) offsets(%dma_start3A_113 : memref<128xi32, #tpu.memory_space<vmem>>) semaphore(%arg11 : memref<!tpu.dma_semaphore, #tpu.memory_space<semaphore_mem>>)
    %dma_wait3A_117 = arith.constant 0 : i32
    %dma_wait3A_118 = arith.constant 2 : i32
    %dma_wait3A_119 = arith.constant 0 : i32
    %dma_wait3A_120 = arith.constant 0 : i32
    %dma_wait3A_121 = tpu.memref_slice %arg6[%dma_wait3A_118, %dma_wait3A_119, %dma_wait3A_120] : memref<6x128x128xf32, #tpu.memory_space<vmem>> -> memref<1x128x128xf32, #tpu.memory_space<vmem>>
    %dma_wait3A_122 = tpu.memref_squeeze %dma_wait3A_121 : memref<1x128x128xf32, #tpu.memory_space<vmem>> -> memref<128x128xf32, #tpu.memory_space<vmem>>
    %dma_wait3A_123 = arith.constant 0 : i32
    %dma_wait3A_124 = tpu.memref_slice %arg5[%dma_wait3A_117, %dma_wait3A_123] : memref<200x128xi32, #tpu.memory_space<vmem>> -> memref<1x128xi32, #tpu.memory_space<vmem>>
    %dma_wait3A_125 = tpu.memref_squeeze %dma_wait3A_124 : memref<1x128xi32, #tpu.memory_space<vmem>> -> memref<128xi32, #tpu.memory_space<vmem>>
    %dma_wait3A_126 = arith.constant 0 : i32
    %dma_wait3A_127 = arith.constant 0 : i32
    %dma_wait3A_128 = tpu.memref_slice %arg3[%dma_wait3A_126, %dma_wait3A_127] : memref<100000x128xf32, #tpu.memory_space<hbm>> -> memref<100000x128xf32, #tpu.memory_space<hbm>>
    tpu.wait_indirect_dma semaphore(%arg9 : memref<!tpu.dma_semaphore, #tpu.memory_space<semaphore_mem>>) src(%dma_wait3A_128 : memref<100000x128xf32, #tpu.memory_space<hbm>>) dst(%dma_wait3A_122 : memref<128x128xf32, #tpu.memory_space<vmem>>)
    %add3A_129 = arith.constant 256 : i32
    %add3A_130 = arith.addi %mul3A_4, %add3A_129 : i32
    %dma_start3A_131 = arith.constant 2 : i32
    %dma_start3A_132 = arith.constant 0 : i32
    %dma_start3A_133 = arith.constant 0 : i32
    %dma_start3A_134 = tpu.memref_slice %arg6[%dma_start3A_131, %dma_start3A_132, %dma_start3A_133] : memref<6x128x128xf32, #tpu.memory_space<vmem>> -> memref<1x128x128xf32, #tpu.memory_space<vmem>>
    %dma_start3A_135 = tpu.memref_squeeze %dma_start3A_134 : memref<1x128x128xf32, #tpu.memory_space<vmem>> -> memref<128x128xf32, #tpu.memory_space<vmem>>
    %dma_start3A_136 = arith.constant 0 : i32
    %dma_start3A_137 = tpu.memref_slice %arg4[%add3A_130, %dma_start3A_136] : memref<819200x128xf32, #tpu.memory_space<hbm>> -> memref<128x128xf32, #tpu.memory_space<hbm>>
    %dma_start3A_138 = arith.constant 0 : i32
    %dma_start3A_139 = tpu.memref_slice %arg4[%add3A_130, %dma_start3A_138] : memref<819200x128xf32, #tpu.memory_space<hbm>> -> memref<128x128xf32, #tpu.memory_space<hbm>>
    %dma_start3A_140 = arith.constant 0 : i32
    %dma_start3A_141 = arith.constant 0 : i32
    %dma_start3A_142 = tpu.memref_slice %arg6[%dma_start3A_131, %dma_start3A_140, %dma_start3A_141] : memref<6x128x128xf32, #tpu.memory_space<vmem>> -> memref<1x128x128xf32, #tpu.memory_space<vmem>>
    %dma_start3A_143 = tpu.memref_squeeze %dma_start3A_142 : memref<1x128x128xf32, #tpu.memory_space<vmem>> -> memref<128x128xf32, #tpu.memory_space<vmem>>
    tpu.enqueue_dma source(%dma_start3A_143 : memref<128x128xf32, #tpu.memory_space<vmem>>) target(%dma_start3A_139 : memref<128x128xf32, #tpu.memory_space<hbm>>) target_semaphore(%arg15 : memref<!tpu.dma_semaphore, #tpu.memory_space<semaphore_mem>>)
    %dma_start3A_144 = arith.constant 5 : i32
    %dma_start3A_145 = arith.constant 5 : i32
    %dma_start3A_146 = arith.constant 0 : i32
    %dma_start3A_147 = arith.constant 0 : i32
    %dma_start3A_148 = tpu.memref_slice %arg6[%dma_start3A_145, %dma_start3A_146, %dma_start3A_147] : memref<6x128x128xf32, #tpu.memory_space<vmem>> -> memref<1x128x128xf32, #tpu.memory_space<vmem>>
    %dma_start3A_149 = tpu.memref_squeeze %dma_start3A_148 : memref<1x128x128xf32, #tpu.memory_space<vmem>> -> memref<128x128xf32, #tpu.memory_space<vmem>>
    %dma_start3A_150 = arith.constant 0 : i32
    %dma_start3A_151 = tpu.memref_slice %arg5[%dma_start3A_144, %dma_start3A_150] : memref<200x128xi32, #tpu.memory_space<vmem>> -> memref<1x128xi32, #tpu.memory_space<vmem>>
    %dma_start3A_152 = tpu.memref_squeeze %dma_start3A_151 : memref<1x128xi32, #tpu.memory_space<vmem>> -> memref<128xi32, #tpu.memory_space<vmem>>
    %dma_start3A_153 = arith.constant 0 : i32
    %dma_start3A_154 = arith.constant 0 : i32
    %dma_start3A_155 = tpu.memref_slice %arg3[%dma_start3A_153, %dma_start3A_154] : memref<100000x128xf32, #tpu.memory_space<hbm>> -> memref<100000x128xf32, #tpu.memory_space<hbm>>
    tpu.enqueue_indirect_dma source(%dma_start3A_155 : memref<100000x128xf32, #tpu.memory_space<hbm>>) target(%dma_start3A_149 : memref<128x128xf32, #tpu.memory_space<vmem>>) offsets(%dma_start3A_152 : memref<128xi32, #tpu.memory_space<vmem>>) semaphore(%arg12 : memref<!tpu.dma_semaphore, #tpu.memory_space<semaphore_mem>>)
    %scan3A = arith.constant 0 : i32
    %scan3A_156 = arith.constant 0 : i32
    %scan3A_157 = arith.constant 32 : i32
    %scan3A_158 = arith.addi %scan3A_156, %scan3A_157 : i32
    %scan3A_159 = arith.constant 1 : i32
    scf.for %scan3A_440 = %scan3A_156 to %scan3A_158 step %scan3A_159  : i32 {
      %mul3A_441 = arith.constant 6 : i32
      %mul3A_442 = arith.muli %scan3A_440, %mul3A_441 : i32
      %add3A_443 = arith.constant 3 : i32
      %add3A_444 = arith.addi %add3A_443, %mul3A_442 : i32
      %add3A_445 = arith.constant 0 : i32
      %add3A_446 = arith.addi %add3A_444, %add3A_445 : i32
      %dma_wait3A_447 = arith.constant 0 : i32
      %dma_wait3A_448 = arith.constant 3 : i32
      %dma_wait3A_449 = arith.constant 0 : i32
      %dma_wait3A_450 = arith.constant 0 : i32
      %dma_wait3A_451 = tpu.memref_slice %arg6[%dma_wait3A_448, %dma_wait3A_449, %dma_wait3A_450] : memref<6x128x128xf32, #tpu.memory_space<vmem>> -> memref<1x128x128xf32, #tpu.memory_space<vmem>>
      %dma_wait3A_452 = tpu.memref_squeeze %dma_wait3A_451 : memref<1x128x128xf32, #tpu.memory_space<vmem>> -> memref<128x128xf32, #tpu.memory_space<vmem>>
      %dma_wait3A_453 = arith.constant 0 : i32
      %dma_wait3A_454 = tpu.memref_slice %arg5[%dma_wait3A_447, %dma_wait3A_453] : memref<200x128xi32, #tpu.memory_space<vmem>> -> memref<1x128xi32, #tpu.memory_space<vmem>>
      %dma_wait3A_455 = tpu.memref_squeeze %dma_wait3A_454 : memref<1x128xi32, #tpu.memory_space<vmem>> -> memref<128xi32, #tpu.memory_space<vmem>>
      %dma_wait3A_456 = arith.constant 0 : i32
      %dma_wait3A_457 = arith.constant 0 : i32
      %dma_wait3A_458 = tpu.memref_slice %arg3[%dma_wait3A_456, %dma_wait3A_457] : memref<100000x128xf32, #tpu.memory_space<hbm>> -> memref<100000x128xf32, #tpu.memory_space<hbm>>
      tpu.wait_indirect_dma semaphore(%arg10 : memref<!tpu.dma_semaphore, #tpu.memory_space<semaphore_mem>>) src(%dma_wait3A_458 : memref<100000x128xf32, #tpu.memory_space<hbm>>) dst(%dma_wait3A_452 : memref<128x128xf32, #tpu.memory_space<vmem>>)
      %mul3A_459 = arith.constant 128 : i32
      %mul3A_460 = arith.muli %add3A_446, %mul3A_459 : i32
      %add3A_461 = arith.addi %mul3A_4, %mul3A_460 : i32
      %dma_start3A_462 = arith.constant 3 : i32
      %dma_start3A_463 = arith.constant 0 : i32
      %dma_start3A_464 = arith.constant 0 : i32
      %dma_start3A_465 = tpu.memref_slice %arg6[%dma_start3A_462, %dma_start3A_463, %dma_start3A_464] : memref<6x128x128xf32, #tpu.memory_space<vmem>> -> memref<1x128x128xf32, #tpu.memory_space<vmem>>
      %dma_start3A_466 = tpu.memref_squeeze %dma_start3A_465 : memref<1x128x128xf32, #tpu.memory_space<vmem>> -> memref<128x128xf32, #tpu.memory_space<vmem>>
      %dma_start3A_467 = arith.constant 0 : i32
      %dma_start3A_468 = tpu.memref_slice %arg4[%add3A_461, %dma_start3A_467] : memref<819200x128xf32, #tpu.memory_space<hbm>> -> memref<128x128xf32, #tpu.memory_space<hbm>>
      %dma_start3A_469 = arith.constant 0 : i32
      %dma_start3A_470 = tpu.memref_slice %arg4[%add3A_461, %dma_start3A_469] : memref<819200x128xf32, #tpu.memory_space<hbm>> -> memref<128x128xf32, #tpu.memory_space<hbm>>
      %dma_start3A_471 = arith.constant 0 : i32
      %dma_start3A_472 = arith.constant 0 : i32
      %dma_start3A_473 = tpu.memref_slice %arg6[%dma_start3A_462, %dma_start3A_471, %dma_start3A_472] : memref<6x128x128xf32, #tpu.memory_space<vmem>> -> memref<1x128x128xf32, #tpu.memory_space<vmem>>
      %dma_start3A_474 = tpu.memref_squeeze %dma_start3A_473 : memref<1x128x128xf32, #tpu.memory_space<vmem>> -> memref<128x128xf32, #tpu.memory_space<vmem>>
      tpu.enqueue_dma source(%dma_start3A_474 : memref<128x128xf32, #tpu.memory_space<vmem>>) target(%dma_start3A_470 : memref<128x128xf32, #tpu.memory_space<hbm>>) target_semaphore(%arg16 : memref<!tpu.dma_semaphore, #tpu.memory_space<semaphore_mem>>)
      %dma_wait3A_475 = arith.constant 0 : i32
      %dma_wait3A_476 = arith.constant 0 : i32
      %dma_wait3A_477 = arith.constant 0 : i32
      %dma_wait3A_478 = tpu.memref_slice %arg6[%dma_wait3A_475, %dma_wait3A_476, %dma_wait3A_477] : memref<6x128x128xf32, #tpu.memory_space<vmem>> -> memref<1x128x128xf32, #tpu.memory_space<vmem>>
      %dma_wait3A_479 = tpu.memref_squeeze %dma_wait3A_478 : memref<1x128x128xf32, #tpu.memory_space<vmem>> -> memref<128x128xf32, #tpu.memory_space<vmem>>
      %dma_wait3A_480 = arith.constant 0 : i32
      %dma_wait3A_481 = arith.constant 0 : i32
      %dma_wait3A_482 = tpu.memref_slice %arg4[%dma_wait3A_480, %dma_wait3A_481] : memref<819200x128xf32, #tpu.memory_space<hbm>> -> memref<128x128xf32, #tpu.memory_space<hbm>>
      %dma_wait3A_483 = arith.constant 0 : i32
      %dma_wait3A_484 = arith.constant 0 : i32
      %dma_wait3A_485 = tpu.memref_slice %arg4[%dma_wait3A_483, %dma_wait3A_484] : memref<819200x128xf32, #tpu.memory_space<hbm>> -> memref<128x128xf32, #tpu.memory_space<hbm>>
      %dma_wait3A_486 = arith.constant 0 : i32
      %dma_wait3A_487 = arith.constant 0 : i32
      %dma_wait3A_488 = tpu.memref_slice %arg6[%dma_wait3A_475, %dma_wait3A_486, %dma_wait3A_487] : memref<6x128x128xf32, #tpu.memory_space<vmem>> -> memref<1x128x128xf32, #tpu.memory_space<vmem>>
      %dma_wait3A_489 = tpu.memref_squeeze %dma_wait3A_488 : memref<1x128x128xf32, #tpu.memory_space<vmem>> -> memref<128x128xf32, #tpu.memory_space<vmem>>
      tpu.wait_dma2 semaphore(%arg13 : memref<!tpu.dma_semaphore, #tpu.memory_space<semaphore_mem>>) src(%dma_wait3A_489 : memref<128x128xf32, #tpu.memory_space<vmem>>) dst(%dma_wait3A_485 : memref<128x128xf32, #tpu.memory_space<hbm>>)
      %add3A_490 = arith.constant 3 : i32
      %add3A_491 = arith.addi %add3A_446, %add3A_490 : i32
      %dma_start3A_492 = arith.constant 0 : i32
      %dma_start3A_493 = arith.constant 0 : i32
      %dma_start3A_494 = arith.constant 0 : i32
      %dma_start3A_495 = tpu.memref_slice %arg6[%dma_start3A_492, %dma_start3A_493, %dma_start3A_494] : memref<6x128x128xf32, #tpu.memory_space<vmem>> -> memref<1x128x128xf32, #tpu.memory_space<vmem>>
      %dma_start3A_496 = tpu.memref_squeeze %dma_start3A_495 : memref<1x128x128xf32, #tpu.memory_space<vmem>> -> memref<128x128xf32, #tpu.memory_space<vmem>>
      %dma_start3A_497 = arith.constant 0 : i32
      %dma_start3A_498 = tpu.memref_slice %arg5[%add3A_491, %dma_start3A_497] : memref<200x128xi32, #tpu.memory_space<vmem>> -> memref<1x128xi32, #tpu.memory_space<vmem>>
      %dma_start3A_499 = tpu.memref_squeeze %dma_start3A_498 : memref<1x128xi32, #tpu.memory_space<vmem>> -> memref<128xi32, #tpu.memory_space<vmem>>
      %dma_start3A_500 = arith.constant 0 : i32
      %dma_start3A_501 = arith.constant 0 : i32
      %dma_start3A_502 = tpu.memref_slice %arg3[%dma_start3A_500, %dma_start3A_501] : memref<100000x128xf32, #tpu.memory_space<hbm>> -> memref<100000x128xf32, #tpu.memory_space<hbm>>
      tpu.enqueue_indirect_dma source(%dma_start3A_502 : memref<100000x128xf32, #tpu.memory_space<hbm>>) target(%dma_start3A_496 : memref<128x128xf32, #tpu.memory_space<vmem>>) offsets(%dma_start3A_499 : memref<128xi32, #tpu.memory_space<vmem>>) semaphore(%arg7 : memref<!tpu.dma_semaphore, #tpu.memory_space<semaphore_mem>>)
      %add3A_503 = arith.constant 1 : i32
      %add3A_504 = arith.addi %add3A_444, %add3A_503 : i32
      %dma_wait3A_505 = arith.constant 0 : i32
      %dma_wait3A_506 = arith.constant 4 : i32
      %dma_wait3A_507 = arith.constant 0 : i32
      %dma_wait3A_508 = arith.constant 0 : i32
      %dma_wait3A_509 = tpu.memref_slice %arg6[%dma_wait3A_506, %dma_wait3A_507, %dma_wait3A_508] : memref<6x128x128xf32, #tpu.memory_space<vmem>> -> memref<1x128x128xf32, #tpu.memory_space<vmem>>
      %dma_wait3A_510 = tpu.memref_squeeze %dma_wait3A_509 : memref<1x128x128xf32, #tpu.memory_space<vmem>> -> memref<128x128xf32, #tpu.memory_space<vmem>>
      %dma_wait3A_511 = arith.constant 0 : i32
      %dma_wait3A_512 = tpu.memref_slice %arg5[%dma_wait3A_505, %dma_wait3A_511] : memref<200x128xi32, #tpu.memory_space<vmem>> -> memref<1x128xi32, #tpu.memory_space<vmem>>
      %dma_wait3A_513 = tpu.memref_squeeze %dma_wait3A_512 : memref<1x128xi32, #tpu.memory_space<vmem>> -> memref<128xi32, #tpu.memory_space<vmem>>
      %dma_wait3A_514 = arith.constant 0 : i32
      %dma_wait3A_515 = arith.constant 0 : i32
      %dma_wait3A_516 = tpu.memref_slice %arg3[%dma_wait3A_514, %dma_wait3A_515] : memref<100000x128xf32, #tpu.memory_space<hbm>> -> memref<100000x128xf32, #tpu.memory_space<hbm>>
      tpu.wait_indirect_dma semaphore(%arg11 : memref<!tpu.dma_semaphore, #tpu.memory_space<semaphore_mem>>) src(%dma_wait3A_516 : memref<100000x128xf32, #tpu.memory_space<hbm>>) dst(%dma_wait3A_510 : memref<128x128xf32, #tpu.memory_space<vmem>>)
      %mul3A_517 = arith.constant 128 : i32
      %mul3A_518 = arith.muli %add3A_504, %mul3A_517 : i32
      %add3A_519 = arith.addi %mul3A_4, %mul3A_518 : i32
      %dma_start3A_520 = arith.constant 4 : i32
      %dma_start3A_521 = arith.constant 0 : i32
      %dma_start3A_522 = arith.constant 0 : i32
      %dma_start3A_523 = tpu.memref_slice %arg6[%dma_start3A_520, %dma_start3A_521, %dma_start3A_522] : memref<6x128x128xf32, #tpu.memory_space<vmem>> -> memref<1x128x128xf32, #tpu.memory_space<vmem>>
      %dma_start3A_524 = tpu.memref_squeeze %dma_start3A_523 : memref<1x128x128xf32, #tpu.memory_space<vmem>> -> memref<128x128xf32, #tpu.memory_space<vmem>>
      %dma_start3A_525 = arith.constant 0 : i32
      %dma_start3A_526 = tpu.memref_slice %arg4[%add3A_519, %dma_start3A_525] : memref<819200x128xf32, #tpu.memory_space<hbm>> -> memref<128x128xf32, #tpu.memory_space<hbm>>
      %dma_start3A_527 = arith.constant 0 : i32
      %dma_start3A_528 = tpu.memref_slice %arg4[%add3A_519, %dma_start3A_527] : memref<819200x128xf32, #tpu.memory_space<hbm>> -> memref<128x128xf32, #tpu.memory_space<hbm>>
      %dma_start3A_529 = arith.constant 0 : i32
      %dma_start3A_530 = arith.constant 0 : i32
      %dma_start3A_531 = tpu.memref_slice %arg6[%dma_start3A_520, %dma_start3A_529, %dma_start3A_530] : memref<6x128x128xf32, #tpu.memory_space<vmem>> -> memref<1x128x128xf32, #tpu.memory_space<vmem>>
      %dma_start3A_532 = tpu.memref_squeeze %dma_start3A_531 : memref<1x128x128xf32, #tpu.memory_space<vmem>> -> memref<128x128xf32, #tpu.memory_space<vmem>>
      tpu.enqueue_dma source(%dma_start3A_532 : memref<128x128xf32, #tpu.memory_space<vmem>>) target(%dma_start3A_528 : memref<128x128xf32, #tpu.memory_space<hbm>>) target_semaphore(%arg17 : memref<!tpu.dma_semaphore, #tpu.memory_space<semaphore_mem>>)
      %dma_wait3A_533 = arith.constant 1 : i32
      %dma_wait3A_534 = arith.constant 0 : i32
      %dma_wait3A_535 = arith.constant 0 : i32
      %dma_wait3A_536 = tpu.memref_slice %arg6[%dma_wait3A_533, %dma_wait3A_534, %dma_wait3A_535] : memref<6x128x128xf32, #tpu.memory_space<vmem>> -> memref<1x128x128xf32, #tpu.memory_space<vmem>>
      %dma_wait3A_537 = tpu.memref_squeeze %dma_wait3A_536 : memref<1x128x128xf32, #tpu.memory_space<vmem>> -> memref<128x128xf32, #tpu.memory_space<vmem>>
      %dma_wait3A_538 = arith.constant 0 : i32
      %dma_wait3A_539 = arith.constant 0 : i32
      %dma_wait3A_540 = tpu.memref_slice %arg4[%dma_wait3A_538, %dma_wait3A_539] : memref<819200x128xf32, #tpu.memory_space<hbm>> -> memref<128x128xf32, #tpu.memory_space<hbm>>
      %dma_wait3A_541 = arith.constant 0 : i32
      %dma_wait3A_542 = arith.constant 0 : i32
      %dma_wait3A_543 = tpu.memref_slice %arg4[%dma_wait3A_541, %dma_wait3A_542] : memref<819200x128xf32, #tpu.memory_space<hbm>> -> memref<128x128xf32, #tpu.memory_space<hbm>>
      %dma_wait3A_544 = arith.constant 0 : i32
      %dma_wait3A_545 = arith.constant 0 : i32
      %dma_wait3A_546 = tpu.memref_slice %arg6[%dma_wait3A_533, %dma_wait3A_544, %dma_wait3A_545] : memref<6x128x128xf32, #tpu.memory_space<vmem>> -> memref<1x128x128xf32, #tpu.memory_space<vmem>>
      %dma_wait3A_547 = tpu.memref_squeeze %dma_wait3A_546 : memref<1x128x128xf32, #tpu.memory_space<vmem>> -> memref<128x128xf32, #tpu.memory_space<vmem>>
      tpu.wait_dma2 semaphore(%arg14 : memref<!tpu.dma_semaphore, #tpu.memory_space<semaphore_mem>>) src(%dma_wait3A_547 : memref<128x128xf32, #tpu.memory_space<vmem>>) dst(%dma_wait3A_543 : memref<128x128xf32, #tpu.memory_space<hbm>>)
      %add3A_548 = arith.constant 3 : i32
      %add3A_549 = arith.addi %add3A_504, %add3A_548 : i32
      %dma_start3A_550 = arith.constant 1 : i32
      %dma_start3A_551 = arith.constant 0 : i32
      %dma_start3A_552 = arith.constant 0 : i32
      %dma_start3A_553 = tpu.memref_slice %arg6[%dma_start3A_550, %dma_start3A_551, %dma_start3A_552] : memref<6x128x128xf32, #tpu.memory_space<vmem>> -> memref<1x128x128xf32, #tpu.memory_space<vmem>>
      %dma_start3A_554 = tpu.memref_squeeze %dma_start3A_553 : memref<1x128x128xf32, #tpu.memory_space<vmem>> -> memref<128x128xf32, #tpu.memory_space<vmem>>
      %dma_start3A_555 = arith.constant 0 : i32
      %dma_start3A_556 = tpu.memref_slice %arg5[%add3A_549, %dma_start3A_555] : memref<200x128xi32, #tpu.memory_space<vmem>> -> memref<1x128xi32, #tpu.memory_space<vmem>>
      %dma_start3A_557 = tpu.memref_squeeze %dma_start3A_556 : memref<1x128xi32, #tpu.memory_space<vmem>> -> memref<128xi32, #tpu.memory_space<vmem>>
      %dma_start3A_558 = arith.constant 0 : i32
      %dma_start3A_559 = arith.constant 0 : i32
      %dma_start3A_560 = tpu.memref_slice %arg3[%dma_start3A_558, %dma_start3A_559] : memref<100000x128xf32, #tpu.memory_space<hbm>> -> memref<100000x128xf32, #tpu.memory_space<hbm>>
      tpu.enqueue_indirect_dma source(%dma_start3A_560 : memref<100000x128xf32, #tpu.memory_space<hbm>>) target(%dma_start3A_554 : memref<128x128xf32, #tpu.memory_space<vmem>>) offsets(%dma_start3A_557 : memref<128xi32, #tpu.memory_space<vmem>>) semaphore(%arg8 : memref<!tpu.dma_semaphore, #tpu.memory_space<semaphore_mem>>)
      %add3A_561 = arith.constant 2 : i32
      %add3A_562 = arith.addi %add3A_444, %add3A_561 : i32
      %dma_wait3A_563 = arith.constant 0 : i32
      %dma_wait3A_564 = arith.constant 5 : i32
      %dma_wait3A_565 = arith.constant 0 : i32
      %dma_wait3A_566 = arith.constant 0 : i32
      %dma_wait3A_567 = tpu.memref_slice %arg6[%dma_wait3A_564, %dma_wait3A_565, %dma_wait3A_566] : memref<6x128x128xf32, #tpu.memory_space<vmem>> -> memref<1x128x128xf32, #tpu.memory_space<vmem>>
      %dma_wait3A_568 = tpu.memref_squeeze %dma_wait3A_567 : memref<1x128x128xf32, #tpu.memory_space<vmem>> -> memref<128x128xf32, #tpu.memory_space<vmem>>
      %dma_wait3A_569 = arith.constant 0 : i32
      %dma_wait3A_570 = tpu.memref_slice %arg5[%dma_wait3A_563, %dma_wait3A_569] : memref<200x128xi32, #tpu.memory_space<vmem>> -> memref<1x128xi32, #tpu.memory_space<vmem>>
      %dma_wait3A_571 = tpu.memref_squeeze %dma_wait3A_570 : memref<1x128xi32, #tpu.memory_space<vmem>> -> memref<128xi32, #tpu.memory_space<vmem>>
      %dma_wait3A_572 = arith.constant 0 : i32
      %dma_wait3A_573 = arith.constant 0 : i32
      %dma_wait3A_574 = tpu.memref_slice %arg3[%dma_wait3A_572, %dma_wait3A_573] : memref<100000x128xf32, #tpu.memory_space<hbm>> -> memref<100000x128xf32, #tpu.memory_space<hbm>>
      tpu.wait_indirect_dma semaphore(%arg12 : memref<!tpu.dma_semaphore, #tpu.memory_space<semaphore_mem>>) src(%dma_wait3A_574 : memref<100000x128xf32, #tpu.memory_space<hbm>>) dst(%dma_wait3A_568 : memref<128x128xf32, #tpu.memory_space<vmem>>)
      %mul3A_575 = arith.constant 128 : i32
      %mul3A_576 = arith.muli %add3A_562, %mul3A_575 : i32
      %add3A_577 = arith.addi %mul3A_4, %mul3A_576 : i32
      %dma_start3A_578 = arith.constant 5 : i32
      %dma_start3A_579 = arith.constant 0 : i32
      %dma_start3A_580 = arith.constant 0 : i32
      %dma_start3A_581 = tpu.memref_slice %arg6[%dma_start3A_578, %dma_start3A_579, %dma_start3A_580] : memref<6x128x128xf32, #tpu.memory_space<vmem>> -> memref<1x128x128xf32, #tpu.memory_space<vmem>>
      %dma_start3A_582 = tpu.memref_squeeze %dma_start3A_581 : memref<1x128x128xf32, #tpu.memory_space<vmem>> -> memref<128x128xf32, #tpu.memory_space<vmem>>
      %dma_start3A_583 = arith.constant 0 : i32
      %dma_start3A_584 = tpu.memref_slice %arg4[%add3A_577, %dma_start3A_583] : memref<819200x128xf32, #tpu.memory_space<hbm>> -> memref<128x128xf32, #tpu.memory_space<hbm>>
      %dma_start3A_585 = arith.constant 0 : i32
      %dma_start3A_586 = tpu.memref_slice %arg4[%add3A_577, %dma_start3A_585] : memref<819200x128xf32, #tpu.memory_space<hbm>> -> memref<128x128xf32, #tpu.memory_space<hbm>>
      %dma_start3A_587 = arith.constant 0 : i32
      %dma_start3A_588 = arith.constant 0 : i32
      %dma_start3A_589 = tpu.memref_slice %arg6[%dma_start3A_578, %dma_start3A_587, %dma_start3A_588] : memref<6x128x128xf32, #tpu.memory_space<vmem>> -> memref<1x128x128xf32, #tpu.memory_space<vmem>>
      %dma_start3A_590 = tpu.memref_squeeze %dma_start3A_589 : memref<1x128x128xf32, #tpu.memory_space<vmem>> -> memref<128x128xf32, #tpu.memory_space<vmem>>
      tpu.enqueue_dma source(%dma_start3A_590 : memref<128x128xf32, #tpu.memory_space<vmem>>) target(%dma_start3A_586 : memref<128x128xf32, #tpu.memory_space<hbm>>) target_semaphore(%arg18 : memref<!tpu.dma_semaphore, #tpu.memory_space<semaphore_mem>>)
      %dma_wait3A_591 = arith.constant 2 : i32
      %dma_wait3A_592 = arith.constant 0 : i32
      %dma_wait3A_593 = arith.constant 0 : i32
      %dma_wait3A_594 = tpu.memref_slice %arg6[%dma_wait3A_591, %dma_wait3A_592, %dma_wait3A_593] : memref<6x128x128xf32, #tpu.memory_space<vmem>> -> memref<1x128x128xf32, #tpu.memory_space<vmem>>
      %dma_wait3A_595 = tpu.memref_squeeze %dma_wait3A_594 : memref<1x128x128xf32, #tpu.memory_space<vmem>> -> memref<128x128xf32, #tpu.memory_space<vmem>>
      %dma_wait3A_596 = arith.constant 0 : i32
      %dma_wait3A_597 = arith.constant 0 : i32
      %dma_wait3A_598 = tpu.memref_slice %arg4[%dma_wait3A_596, %dma_wait3A_597] : memref<819200x128xf32, #tpu.memory_space<hbm>> -> memref<128x128xf32, #tpu.memory_space<hbm>>
      %dma_wait3A_599 = arith.constant 0 : i32
      %dma_wait3A_600 = arith.constant 0 : i32
      %dma_wait3A_601 = tpu.memref_slice %arg4[%dma_wait3A_599, %dma_wait3A_600] : memref<819200x128xf32, #tpu.memory_space<hbm>> -> memref<128x128xf32, #tpu.memory_space<hbm>>
      %dma_wait3A_602 = arith.constant 0 : i32
      %dma_wait3A_603 = arith.constant 0 : i32
      %dma_wait3A_604 = tpu.memref_slice %arg6[%dma_wait3A_591, %dma_wait3A_602, %dma_wait3A_603] : memref<6x128x128xf32, #tpu.memory_space<vmem>> -> memref<1x128x128xf32, #tpu.memory_space<vmem>>
      %dma_wait3A_605 = tpu.memref_squeeze %dma_wait3A_604 : memref<1x128x128xf32, #tpu.memory_space<vmem>> -> memref<128x128xf32, #tpu.memory_space<vmem>>
      tpu.wait_dma2 semaphore(%arg15 : memref<!tpu.dma_semaphore, #tpu.memory_space<semaphore_mem>>) src(%dma_wait3A_605 : memref<128x128xf32, #tpu.memory_space<vmem>>) dst(%dma_wait3A_601 : memref<128x128xf32, #tpu.memory_space<hbm>>)
      %add3A_606 = arith.constant 3 : i32
      %add3A_607 = arith.addi %add3A_562, %add3A_606 : i32
      %dma_start3A_608 = arith.constant 2 : i32
      %dma_start3A_609 = arith.constant 0 : i32
      %dma_start3A_610 = arith.constant 0 : i32
      %dma_start3A_611 = tpu.memref_slice %arg6[%dma_start3A_608, %dma_start3A_609, %dma_start3A_610] : memref<6x128x128xf32, #tpu.memory_space<vmem>> -> memref<1x128x128xf32, #tpu.memory_space<vmem>>
      %dma_start3A_612 = tpu.memref_squeeze %dma_start3A_611 : memref<1x128x128xf32, #tpu.memory_space<vmem>> -> memref<128x128xf32, #tpu.memory_space<vmem>>
      %dma_start3A_613 = arith.constant 0 : i32
      %dma_start3A_614 = tpu.memref_slice %arg5[%add3A_607, %dma_start3A_613] : memref<200x128xi32, #tpu.memory_space<vmem>> -> memref<1x128xi32, #tpu.memory_space<vmem>>
      %dma_start3A_615 = tpu.memref_squeeze %dma_start3A_614 : memref<1x128xi32, #tpu.memory_space<vmem>> -> memref<128xi32, #tpu.memory_space<vmem>>
      %dma_start3A_616 = arith.constant 0 : i32
      %dma_start3A_617 = arith.constant 0 : i32
      %dma_start3A_618 = tpu.memref_slice %arg3[%dma_start3A_616, %dma_start3A_617] : memref<100000x128xf32, #tpu.memory_space<hbm>> -> memref<100000x128xf32, #tpu.memory_space<hbm>>
      tpu.enqueue_indirect_dma source(%dma_start3A_618 : memref<100000x128xf32, #tpu.memory_space<hbm>>) target(%dma_start3A_612 : memref<128x128xf32, #tpu.memory_space<vmem>>) offsets(%dma_start3A_615 : memref<128xi32, #tpu.memory_space<vmem>>) semaphore(%arg9 : memref<!tpu.dma_semaphore, #tpu.memory_space<semaphore_mem>>)
      %add3A_619 = arith.constant 3 : i32
      %add3A_620 = arith.addi %add3A_444, %add3A_619 : i32
      %dma_wait3A_621 = arith.constant 0 : i32
      %dma_wait3A_622 = arith.constant 0 : i32
      %dma_wait3A_623 = arith.constant 0 : i32
      %dma_wait3A_624 = arith.constant 0 : i32
      %dma_wait3A_625 = tpu.memref_slice %arg6[%dma_wait3A_622, %dma_wait3A_623, %dma_wait3A_624] : memref<6x128x128xf32, #tpu.memory_space<vmem>> -> memref<1x128x128xf32, #tpu.memory_space<vmem>>
      %dma_wait3A_626 = tpu.memref_squeeze %dma_wait3A_625 : memref<1x128x128xf32, #tpu.memory_space<vmem>> -> memref<128x128xf32, #tpu.memory_space<vmem>>
      %dma_wait3A_627 = arith.constant 0 : i32
      %dma_wait3A_628 = tpu.memref_slice %arg5[%dma_wait3A_621, %dma_wait3A_627] : memref<200x128xi32, #tpu.memory_space<vmem>> -> memref<1x128xi32, #tpu.memory_space<vmem>>
      %dma_wait3A_629 = tpu.memref_squeeze %dma_wait3A_628 : memref<1x128xi32, #tpu.memory_space<vmem>> -> memref<128xi32, #tpu.memory_space<vmem>>
      %dma_wait3A_630 = arith.constant 0 : i32
      %dma_wait3A_631 = arith.constant 0 : i32
      %dma_wait3A_632 = tpu.memref_slice %arg3[%dma_wait3A_630, %dma_wait3A_631] : memref<100000x128xf32, #tpu.memory_space<hbm>> -> memref<100000x128xf32, #tpu.memory_space<hbm>>
      tpu.wait_indirect_dma semaphore(%arg7 : memref<!tpu.dma_semaphore, #tpu.memory_space<semaphore_mem>>) src(%dma_wait3A_632 : memref<100000x128xf32, #tpu.memory_space<hbm>>) dst(%dma_wait3A_626 : memref<128x128xf32, #tpu.memory_space<vmem>>)
      %mul3A_633 = arith.constant 128 : i32
      %mul3A_634 = arith.muli %add3A_620, %mul3A_633 : i32
      %add3A_635 = arith.addi %mul3A_4, %mul3A_634 : i32
      %dma_start3A_636 = arith.constant 0 : i32
      %dma_start3A_637 = arith.constant 0 : i32
      %dma_start3A_638 = arith.constant 0 : i32
      %dma_start3A_639 = tpu.memref_slice %arg6[%dma_start3A_636, %dma_start3A_637, %dma_start3A_638] : memref<6x128x128xf32, #tpu.memory_space<vmem>> -> memref<1x128x128xf32, #tpu.memory_space<vmem>>
      %dma_start3A_640 = tpu.memref_squeeze %dma_start3A_639 : memref<1x128x128xf32, #tpu.memory_space<vmem>> -> memref<128x128xf32, #tpu.memory_space<vmem>>
      %dma_start3A_641 = arith.constant 0 : i32
      %dma_start3A_642 = tpu.memref_slice %arg4[%add3A_635, %dma_start3A_641] : memref<819200x128xf32, #tpu.memory_space<hbm>> -> memref<128x128xf32, #tpu.memory_space<hbm>>
      %dma_start3A_643 = arith.constant 0 : i32
      %dma_start3A_644 = tpu.memref_slice %arg4[%add3A_635, %dma_start3A_643] : memref<819200x128xf32, #tpu.memory_space<hbm>> -> memref<128x128xf32, #tpu.memory_space<hbm>>
      %dma_start3A_645 = arith.constant 0 : i32
      %dma_start3A_646 = arith.constant 0 : i32
      %dma_start3A_647 = tpu.memref_slice %arg6[%dma_start3A_636, %dma_start3A_645, %dma_start3A_646] : memref<6x128x128xf32, #tpu.memory_space<vmem>> -> memref<1x128x128xf32, #tpu.memory_space<vmem>>
      %dma_start3A_648 = tpu.memref_squeeze %dma_start3A_647 : memref<1x128x128xf32, #tpu.memory_space<vmem>> -> memref<128x128xf32, #tpu.memory_space<vmem>>
      tpu.enqueue_dma source(%dma_start3A_648 : memref<128x128xf32, #tpu.memory_space<vmem>>) target(%dma_start3A_644 : memref<128x128xf32, #tpu.memory_space<hbm>>) target_semaphore(%arg13 : memref<!tpu.dma_semaphore, #tpu.memory_space<semaphore_mem>>)
      %dma_wait3A_649 = arith.constant 3 : i32
      %dma_wait3A_650 = arith.constant 0 : i32
      %dma_wait3A_651 = arith.constant 0 : i32
      %dma_wait3A_652 = tpu.memref_slice %arg6[%dma_wait3A_649, %dma_wait3A_650, %dma_wait3A_651] : memref<6x128x128xf32, #tpu.memory_space<vmem>> -> memref<1x128x128xf32, #tpu.memory_space<vmem>>
      %dma_wait3A_653 = tpu.memref_squeeze %dma_wait3A_652 : memref<1x128x128xf32, #tpu.memory_space<vmem>> -> memref<128x128xf32, #tpu.memory_space<vmem>>
      %dma_wait3A_654 = arith.constant 0 : i32
      %dma_wait3A_655 = arith.constant 0 : i32
      %dma_wait3A_656 = tpu.memref_slice %arg4[%dma_wait3A_654, %dma_wait3A_655] : memref<819200x128xf32, #tpu.memory_space<hbm>> -> memref<128x128xf32, #tpu.memory_space<hbm>>
      %dma_wait3A_657 = arith.constant 0 : i32
      %dma_wait3A_658 = arith.constant 0 : i32
      %dma_wait3A_659 = tpu.memref_slice %arg4[%dma_wait3A_657, %dma_wait3A_658] : memref<819200x128xf32, #tpu.memory_space<hbm>> -> memref<128x128xf32, #tpu.memory_space<hbm>>
      %dma_wait3A_660 = arith.constant 0 : i32
      %dma_wait3A_661 = arith.constant 0 : i32
      %dma_wait3A_662 = tpu.memref_slice %arg6[%dma_wait3A_649, %dma_wait3A_660, %dma_wait3A_661] : memref<6x128x128xf32, #tpu.memory_space<vmem>> -> memref<1x128x128xf32, #tpu.memory_space<vmem>>
      %dma_wait3A_663 = tpu.memref_squeeze %dma_wait3A_662 : memref<1x128x128xf32, #tpu.memory_space<vmem>> -> memref<128x128xf32, #tpu.memory_space<vmem>>
      tpu.wait_dma2 semaphore(%arg16 : memref<!tpu.dma_semaphore, #tpu.memory_space<semaphore_mem>>) src(%dma_wait3A_663 : memref<128x128xf32, #tpu.memory_space<vmem>>) dst(%dma_wait3A_659 : memref<128x128xf32, #tpu.memory_space<hbm>>)
      %add3A_664 = arith.constant 3 : i32
      %add3A_665 = arith.addi %add3A_620, %add3A_664 : i32
      %dma_start3A_666 = arith.constant 3 : i32
      %dma_start3A_667 = arith.constant 0 : i32
      %dma_start3A_668 = arith.constant 0 : i32
      %dma_start3A_669 = tpu.memref_slice %arg6[%dma_start3A_666, %dma_start3A_667, %dma_start3A_668] : memref<6x128x128xf32, #tpu.memory_space<vmem>> -> memref<1x128x128xf32, #tpu.memory_space<vmem>>
      %dma_start3A_670 = tpu.memref_squeeze %dma_start3A_669 : memref<1x128x128xf32, #tpu.memory_space<vmem>> -> memref<128x128xf32, #tpu.memory_space<vmem>>
      %dma_start3A_671 = arith.constant 0 : i32
      %dma_start3A_672 = tpu.memref_slice %arg5[%add3A_665, %dma_start3A_671] : memref<200x128xi32, #tpu.memory_space<vmem>> -> memref<1x128xi32, #tpu.memory_space<vmem>>
      %dma_start3A_673 = tpu.memref_squeeze %dma_start3A_672 : memref<1x128xi32, #tpu.memory_space<vmem>> -> memref<128xi32, #tpu.memory_space<vmem>>
      %dma_start3A_674 = arith.constant 0 : i32
      %dma_start3A_675 = arith.constant 0 : i32
      %dma_start3A_676 = tpu.memref_slice %arg3[%dma_start3A_674, %dma_start3A_675] : memref<100000x128xf32, #tpu.memory_space<hbm>> -> memref<100000x128xf32, #tpu.memory_space<hbm>>
      tpu.enqueue_indirect_dma source(%dma_start3A_676 : memref<100000x128xf32, #tpu.memory_space<hbm>>) target(%dma_start3A_670 : memref<128x128xf32, #tpu.memory_space<vmem>>) offsets(%dma_start3A_673 : memref<128xi32, #tpu.memory_space<vmem>>) semaphore(%arg10 : memref<!tpu.dma_semaphore, #tpu.memory_space<semaphore_mem>>)
      %add3A_677 = arith.constant 4 : i32
      %add3A_678 = arith.addi %add3A_444, %add3A_677 : i32
      %dma_wait3A_679 = arith.constant 0 : i32
      %dma_wait3A_680 = arith.constant 1 : i32
      %dma_wait3A_681 = arith.constant 0 : i32
      %dma_wait3A_682 = arith.constant 0 : i32
      %dma_wait3A_683 = tpu.memref_slice %arg6[%dma_wait3A_680, %dma_wait3A_681, %dma_wait3A_682] : memref<6x128x128xf32, #tpu.memory_space<vmem>> -> memref<1x128x128xf32, #tpu.memory_space<vmem>>
      %dma_wait3A_684 = tpu.memref_squeeze %dma_wait3A_683 : memref<1x128x128xf32, #tpu.memory_space<vmem>> -> memref<128x128xf32, #tpu.memory_space<vmem>>
      %dma_wait3A_685 = arith.constant 0 : i32
      %dma_wait3A_686 = tpu.memref_slice %arg5[%dma_wait3A_679, %dma_wait3A_685] : memref<200x128xi32, #tpu.memory_space<vmem>> -> memref<1x128xi32, #tpu.memory_space<vmem>>
      %dma_wait3A_687 = tpu.memref_squeeze %dma_wait3A_686 : memref<1x128xi32, #tpu.memory_space<vmem>> -> memref<128xi32, #tpu.memory_space<vmem>>
      %dma_wait3A_688 = arith.constant 0 : i32
      %dma_wait3A_689 = arith.constant 0 : i32
      %dma_wait3A_690 = tpu.memref_slice %arg3[%dma_wait3A_688, %dma_wait3A_689] : memref<100000x128xf32, #tpu.memory_space<hbm>> -> memref<100000x128xf32, #tpu.memory_space<hbm>>
      tpu.wait_indirect_dma semaphore(%arg8 : memref<!tpu.dma_semaphore, #tpu.memory_space<semaphore_mem>>) src(%dma_wait3A_690 : memref<100000x128xf32, #tpu.memory_space<hbm>>) dst(%dma_wait3A_684 : memref<128x128xf32, #tpu.memory_space<vmem>>)
      %mul3A_691 = arith.constant 128 : i32
      %mul3A_692 = arith.muli %add3A_678, %mul3A_691 : i32
      %add3A_693 = arith.addi %mul3A_4, %mul3A_692 : i32
      %dma_start3A_694 = arith.constant 1 : i32
      %dma_start3A_695 = arith.constant 0 : i32
      %dma_start3A_696 = arith.constant 0 : i32
      %dma_start3A_697 = tpu.memref_slice %arg6[%dma_start3A_694, %dma_start3A_695, %dma_start3A_696] : memref<6x128x128xf32, #tpu.memory_space<vmem>> -> memref<1x128x128xf32, #tpu.memory_space<vmem>>
      %dma_start3A_698 = tpu.memref_squeeze %dma_start3A_697 : memref<1x128x128xf32, #tpu.memory_space<vmem>> -> memref<128x128xf32, #tpu.memory_space<vmem>>
      %dma_start3A_699 = arith.constant 0 : i32
      %dma_start3A_700 = tpu.memref_slice %arg4[%add3A_693, %dma_start3A_699] : memref<819200x128xf32, #tpu.memory_space<hbm>> -> memref<128x128xf32, #tpu.memory_space<hbm>>
      %dma_start3A_701 = arith.constant 0 : i32
      %dma_start3A_702 = tpu.memref_slice %arg4[%add3A_693, %dma_start3A_701] : memref<819200x128xf32, #tpu.memory_space<hbm>> -> memref<128x128xf32, #tpu.memory_space<hbm>>
      %dma_start3A_703 = arith.constant 0 : i32
      %dma_start3A_704 = arith.constant 0 : i32
      %dma_start3A_705 = tpu.memref_slice %arg6[%dma_start3A_694, %dma_start3A_703, %dma_start3A_704] : memref<6x128x128xf32, #tpu.memory_space<vmem>> -> memref<1x128x128xf32, #tpu.memory_space<vmem>>
      %dma_start3A_706 = tpu.memref_squeeze %dma_start3A_705 : memref<1x128x128xf32, #tpu.memory_space<vmem>> -> memref<128x128xf32, #tpu.memory_space<vmem>>
      tpu.enqueue_dma source(%dma_start3A_706 : memref<128x128xf32, #tpu.memory_space<vmem>>) target(%dma_start3A_702 : memref<128x128xf32, #tpu.memory_space<hbm>>) target_semaphore(%arg14 : memref<!tpu.dma_semaphore, #tpu.memory_space<semaphore_mem>>)
      %dma_wait3A_707 = arith.constant 4 : i32
      %dma_wait3A_708 = arith.constant 0 : i32
      %dma_wait3A_709 = arith.constant 0 : i32
      %dma_wait3A_710 = tpu.memref_slice %arg6[%dma_wait3A_707, %dma_wait3A_708, %dma_wait3A_709] : memref<6x128x128xf32, #tpu.memory_space<vmem>> -> memref<1x128x128xf32, #tpu.memory_space<vmem>>
      %dma_wait3A_711 = tpu.memref_squeeze %dma_wait3A_710 : memref<1x128x128xf32, #tpu.memory_space<vmem>> -> memref<128x128xf32, #tpu.memory_space<vmem>>
      %dma_wait3A_712 = arith.constant 0 : i32
      %dma_wait3A_713 = arith.constant 0 : i32
      %dma_wait3A_714 = tpu.memref_slice %arg4[%dma_wait3A_712, %dma_wait3A_713] : memref<819200x128xf32, #tpu.memory_space<hbm>> -> memref<128x128xf32, #tpu.memory_space<hbm>>
      %dma_wait3A_715 = arith.constant 0 : i32
      %dma_wait3A_716 = arith.constant 0 : i32
      %dma_wait3A_717 = tpu.memref_slice %arg4[%dma_wait3A_715, %dma_wait3A_716] : memref<819200x128xf32, #tpu.memory_space<hbm>> -> memref<128x128xf32, #tpu.memory_space<hbm>>
      %dma_wait3A_718 = arith.constant 0 : i32
      %dma_wait3A_719 = arith.constant 0 : i32
      %dma_wait3A_720 = tpu.memref_slice %arg6[%dma_wait3A_707, %dma_wait3A_718, %dma_wait3A_719] : memref<6x128x128xf32, #tpu.memory_space<vmem>> -> memref<1x128x128xf32, #tpu.memory_space<vmem>>
      %dma_wait3A_721 = tpu.memref_squeeze %dma_wait3A_720 : memref<1x128x128xf32, #tpu.memory_space<vmem>> -> memref<128x128xf32, #tpu.memory_space<vmem>>
      tpu.wait_dma2 semaphore(%arg17 : memref<!tpu.dma_semaphore, #tpu.memory_space<semaphore_mem>>) src(%dma_wait3A_721 : memref<128x128xf32, #tpu.memory_space<vmem>>) dst(%dma_wait3A_717 : memref<128x128xf32, #tpu.memory_space<hbm>>)
      %add3A_722 = arith.constant 3 : i32
      %add3A_723 = arith.addi %add3A_678, %add3A_722 : i32
      %dma_start3A_724 = arith.constant 4 : i32
      %dma_start3A_725 = arith.constant 0 : i32
      %dma_start3A_726 = arith.constant 0 : i32
      %dma_start3A_727 = tpu.memref_slice %arg6[%dma_start3A_724, %dma_start3A_725, %dma_start3A_726] : memref<6x128x128xf32, #tpu.memory_space<vmem>> -> memref<1x128x128xf32, #tpu.memory_space<vmem>>
      %dma_start3A_728 = tpu.memref_squeeze %dma_start3A_727 : memref<1x128x128xf32, #tpu.memory_space<vmem>> -> memref<128x128xf32, #tpu.memory_space<vmem>>
      %dma_start3A_729 = arith.constant 0 : i32
      %dma_start3A_730 = tpu.memref_slice %arg5[%add3A_723, %dma_start3A_729] : memref<200x128xi32, #tpu.memory_space<vmem>> -> memref<1x128xi32, #tpu.memory_space<vmem>>
      %dma_start3A_731 = tpu.memref_squeeze %dma_start3A_730 : memref<1x128xi32, #tpu.memory_space<vmem>> -> memref<128xi32, #tpu.memory_space<vmem>>
      %dma_start3A_732 = arith.constant 0 : i32
      %dma_start3A_733 = arith.constant 0 : i32
      %dma_start3A_734 = tpu.memref_slice %arg3[%dma_start3A_732, %dma_start3A_733] : memref<100000x128xf32, #tpu.memory_space<hbm>> -> memref<100000x128xf32, #tpu.memory_space<hbm>>
      tpu.enqueue_indirect_dma source(%dma_start3A_734 : memref<100000x128xf32, #tpu.memory_space<hbm>>) target(%dma_start3A_728 : memref<128x128xf32, #tpu.memory_space<vmem>>) offsets(%dma_start3A_731 : memref<128xi32, #tpu.memory_space<vmem>>) semaphore(%arg11 : memref<!tpu.dma_semaphore, #tpu.memory_space<semaphore_mem>>)
      %add3A_735 = arith.constant 5 : i32
      %add3A_736 = arith.addi %add3A_444, %add3A_735 : i32
      %dma_wait3A_737 = arith.constant 0 : i32
      %dma_wait3A_738 = arith.constant 2 : i32
      %dma_wait3A_739 = arith.constant 0 : i32
      %dma_wait3A_740 = arith.constant 0 : i32
      %dma_wait3A_741 = tpu.memref_slice %arg6[%dma_wait3A_738, %dma_wait3A_739, %dma_wait3A_740] : memref<6x128x128xf32, #tpu.memory_space<vmem>> -> memref<1x128x128xf32, #tpu.memory_space<vmem>>
      %dma_wait3A_742 = tpu.memref_squeeze %dma_wait3A_741 : memref<1x128x128xf32, #tpu.memory_space<vmem>> -> memref<128x128xf32, #tpu.memory_space<vmem>>
      %dma_wait3A_743 = arith.constant 0 : i32
      %dma_wait3A_744 = tpu.memref_slice %arg5[%dma_wait3A_737, %dma_wait3A_743] : memref<200x128xi32, #tpu.memory_space<vmem>> -> memref<1x128xi32, #tpu.memory_space<vmem>>
      %dma_wait3A_745 = tpu.memref_squeeze %dma_wait3A_744 : memref<1x128xi32, #tpu.memory_space<vmem>> -> memref<128xi32, #tpu.memory_space<vmem>>
      %dma_wait3A_746 = arith.constant 0 : i32
      %dma_wait3A_747 = arith.constant 0 : i32
      %dma_wait3A_748 = tpu.memref_slice %arg3[%dma_wait3A_746, %dma_wait3A_747] : memref<100000x128xf32, #tpu.memory_space<hbm>> -> memref<100000x128xf32, #tpu.memory_space<hbm>>
      tpu.wait_indirect_dma semaphore(%arg9 : memref<!tpu.dma_semaphore, #tpu.memory_space<semaphore_mem>>) src(%dma_wait3A_748 : memref<100000x128xf32, #tpu.memory_space<hbm>>) dst(%dma_wait3A_742 : memref<128x128xf32, #tpu.memory_space<vmem>>)
      %mul3A_749 = arith.constant 128 : i32
      %mul3A_750 = arith.muli %add3A_736, %mul3A_749 : i32
      %add3A_751 = arith.addi %mul3A_4, %mul3A_750 : i32
      %dma_start3A_752 = arith.constant 2 : i32
      %dma_start3A_753 = arith.constant 0 : i32
      %dma_start3A_754 = arith.constant 0 : i32
      %dma_start3A_755 = tpu.memref_slice %arg6[%dma_start3A_752, %dma_start3A_753, %dma_start3A_754] : memref<6x128x128xf32, #tpu.memory_space<vmem>> -> memref<1x128x128xf32, #tpu.memory_space<vmem>>
      %dma_start3A_756 = tpu.memref_squeeze %dma_start3A_755 : memref<1x128x128xf32, #tpu.memory_space<vmem>> -> memref<128x128xf32, #tpu.memory_space<vmem>>
      %dma_start3A_757 = arith.constant 0 : i32
      %dma_start3A_758 = tpu.memref_slice %arg4[%add3A_751, %dma_start3A_757] : memref<819200x128xf32, #tpu.memory_space<hbm>> -> memref<128x128xf32, #tpu.memory_space<hbm>>
      %dma_start3A_759 = arith.constant 0 : i32
      %dma_start3A_760 = tpu.memref_slice %arg4[%add3A_751, %dma_start3A_759] : memref<819200x128xf32, #tpu.memory_space<hbm>> -> memref<128x128xf32, #tpu.memory_space<hbm>>
      %dma_start3A_761 = arith.constant 0 : i32
      %dma_start3A_762 = arith.constant 0 : i32
      %dma_start3A_763 = tpu.memref_slice %arg6[%dma_start3A_752, %dma_start3A_761, %dma_start3A_762] : memref<6x128x128xf32, #tpu.memory_space<vmem>> -> memref<1x128x128xf32, #tpu.memory_space<vmem>>
      %dma_start3A_764 = tpu.memref_squeeze %dma_start3A_763 : memref<1x128x128xf32, #tpu.memory_space<vmem>> -> memref<128x128xf32, #tpu.memory_space<vmem>>
      tpu.enqueue_dma source(%dma_start3A_764 : memref<128x128xf32, #tpu.memory_space<vmem>>) target(%dma_start3A_760 : memref<128x128xf32, #tpu.memory_space<hbm>>) target_semaphore(%arg15 : memref<!tpu.dma_semaphore, #tpu.memory_space<semaphore_mem>>)
      %dma_wait3A_765 = arith.constant 5 : i32
      %dma_wait3A_766 = arith.constant 0 : i32
      %dma_wait3A_767 = arith.constant 0 : i32
      %dma_wait3A_768 = tpu.memref_slice %arg6[%dma_wait3A_765, %dma_wait3A_766, %dma_wait3A_767] : memref<6x128x128xf32, #tpu.memory_space<vmem>> -> memref<1x128x128xf32, #tpu.memory_space<vmem>>
      %dma_wait3A_769 = tpu.memref_squeeze %dma_wait3A_768 : memref<1x128x128xf32, #tpu.memory_space<vmem>> -> memref<128x128xf32, #tpu.memory_space<vmem>>
      %dma_wait3A_770 = arith.constant 0 : i32
      %dma_wait3A_771 = arith.constant 0 : i32
      %dma_wait3A_772 = tpu.memref_slice %arg4[%dma_wait3A_770, %dma_wait3A_771] : memref<819200x128xf32, #tpu.memory_space<hbm>> -> memref<128x128xf32, #tpu.memory_space<hbm>>
      %dma_wait3A_773 = arith.constant 0 : i32
      %dma_wait3A_774 = arith.constant 0 : i32
      %dma_wait3A_775 = tpu.memref_slice %arg4[%dma_wait3A_773, %dma_wait3A_774] : memref<819200x128xf32, #tpu.memory_space<hbm>> -> memref<128x128xf32, #tpu.memory_space<hbm>>
      %dma_wait3A_776 = arith.constant 0 : i32
      %dma_wait3A_777 = arith.constant 0 : i32
      %dma_wait3A_778 = tpu.memref_slice %arg6[%dma_wait3A_765, %dma_wait3A_776, %dma_wait3A_777] : memref<6x128x128xf32, #tpu.memory_space<vmem>> -> memref<1x128x128xf32, #tpu.memory_space<vmem>>
      %dma_wait3A_779 = tpu.memref_squeeze %dma_wait3A_778 : memref<1x128x128xf32, #tpu.memory_space<vmem>> -> memref<128x128xf32, #tpu.memory_space<vmem>>
      tpu.wait_dma2 semaphore(%arg18 : memref<!tpu.dma_semaphore, #tpu.memory_space<semaphore_mem>>) src(%dma_wait3A_779 : memref<128x128xf32, #tpu.memory_space<vmem>>) dst(%dma_wait3A_775 : memref<128x128xf32, #tpu.memory_space<hbm>>)
      %add3A_780 = arith.constant 3 : i32
      %add3A_781 = arith.addi %add3A_736, %add3A_780 : i32
      %dma_start3A_782 = arith.constant 5 : i32
      %dma_start3A_783 = arith.constant 0 : i32
      %dma_start3A_784 = arith.constant 0 : i32
      %dma_start3A_785 = tpu.memref_slice %arg6[%dma_start3A_782, %dma_start3A_783, %dma_start3A_784] : memref<6x128x128xf32, #tpu.memory_space<vmem>> -> memref<1x128x128xf32, #tpu.memory_space<vmem>>
      %dma_start3A_786 = tpu.memref_squeeze %dma_start3A_785 : memref<1x128x128xf32, #tpu.memory_space<vmem>> -> memref<128x128xf32, #tpu.memory_space<vmem>>
      %dma_start3A_787 = arith.constant 0 : i32
      %dma_start3A_788 = tpu.memref_slice %arg5[%add3A_781, %dma_start3A_787] : memref<200x128xi32, #tpu.memory_space<vmem>> -> memref<1x128xi32, #tpu.memory_space<vmem>>
      %dma_start3A_789 = tpu.memref_squeeze %dma_start3A_788 : memref<1x128xi32, #tpu.memory_space<vmem>> -> memref<128xi32, #tpu.memory_space<vmem>>
      %dma_start3A_790 = arith.constant 0 : i32
      %dma_start3A_791 = arith.constant 0 : i32
      %dma_start3A_792 = tpu.memref_slice %arg3[%dma_start3A_790, %dma_start3A_791] : memref<100000x128xf32, #tpu.memory_space<hbm>> -> memref<100000x128xf32, #tpu.memory_space<hbm>>
      tpu.enqueue_indirect_dma source(%dma_start3A_792 : memref<100000x128xf32, #tpu.memory_space<hbm>>) target(%dma_start3A_786 : memref<128x128xf32, #tpu.memory_space<vmem>>) offsets(%dma_start3A_789 : memref<128xi32, #tpu.memory_space<vmem>>) semaphore(%arg12 : memref<!tpu.dma_semaphore, #tpu.memory_space<semaphore_mem>>)
    }
    %scan3A_160 = arith.constant 32 : i32
    %dma_wait3A_161 = arith.constant 0 : i32
    %dma_wait3A_162 = arith.constant 3 : i32
    %dma_wait3A_163 = arith.constant 0 : i32
    %dma_wait3A_164 = arith.constant 0 : i32
    %dma_wait3A_165 = tpu.memref_slice %arg6[%dma_wait3A_162, %dma_wait3A_163, %dma_wait3A_164] : memref<6x128x128xf32, #tpu.memory_space<vmem>> -> memref<1x128x128xf32, #tpu.memory_space<vmem>>
    %dma_wait3A_166 = tpu.memref_squeeze %dma_wait3A_165 : memref<1x128x128xf32, #tpu.memory_space<vmem>> -> memref<128x128xf32, #tpu.memory_space<vmem>>
    %dma_wait3A_167 = arith.constant 0 : i32
    %dma_wait3A_168 = tpu.memref_slice %arg5[%dma_wait3A_161, %dma_wait3A_167] : memref<200x128xi32, #tpu.memory_space<vmem>> -> memref<1x128xi32, #tpu.memory_space<vmem>>
    %dma_wait3A_169 = tpu.memref_squeeze %dma_wait3A_168 : memref<1x128xi32, #tpu.memory_space<vmem>> -> memref<128xi32, #tpu.memory_space<vmem>>
    %dma_wait3A_170 = arith.constant 0 : i32
    %dma_wait3A_171 = arith.constant 0 : i32
    %dma_wait3A_172 = tpu.memref_slice %arg3[%dma_wait3A_170, %dma_wait3A_171] : memref<100000x128xf32, #tpu.memory_space<hbm>> -> memref<100000x128xf32, #tpu.memory_space<hbm>>
    tpu.wait_indirect_dma semaphore(%arg10 : memref<!tpu.dma_semaphore, #tpu.memory_space<semaphore_mem>>) src(%dma_wait3A_172 : memref<100000x128xf32, #tpu.memory_space<hbm>>) dst(%dma_wait3A_166 : memref<128x128xf32, #tpu.memory_space<vmem>>)
    %add3A_173 = arith.constant 24960 : i32
    %add3A_174 = arith.addi %mul3A_4, %add3A_173 : i32
    %dma_start3A_175 = arith.constant 3 : i32
    %dma_start3A_176 = arith.constant 0 : i32
    %dma_start3A_177 = arith.constant 0 : i32
    %dma_start3A_178 = tpu.memref_slice %arg6[%dma_start3A_175, %dma_start3A_176, %dma_start3A_177] : memref<6x128x128xf32, #tpu.memory_space<vmem>> -> memref<1x128x128xf32, #tpu.memory_space<vmem>>
    %dma_start3A_179 = tpu.memref_squeeze %dma_start3A_178 : memref<1x128x128xf32, #tpu.memory_space<vmem>> -> memref<128x128xf32, #tpu.memory_space<vmem>>
    %dma_start3A_180 = arith.constant 0 : i32
    %dma_start3A_181 = tpu.memref_slice %arg4[%add3A_174, %dma_start3A_180] : memref<819200x128xf32, #tpu.memory_space<hbm>> -> memref<128x128xf32, #tpu.memory_space<hbm>>
    %dma_start3A_182 = arith.constant 0 : i32
    %dma_start3A_183 = tpu.memref_slice %arg4[%add3A_174, %dma_start3A_182] : memref<819200x128xf32, #tpu.memory_space<hbm>> -> memref<128x128xf32, #tpu.memory_space<hbm>>
    %dma_start3A_184 = arith.constant 0 : i32
    %dma_start3A_185 = arith.constant 0 : i32
    %dma_start3A_186 = tpu.memref_slice %arg6[%dma_start3A_175, %dma_start3A_184, %dma_start3A_185] : memref<6x128x128xf32, #tpu.memory_space<vmem>> -> memref<1x128x128xf32, #tpu.memory_space<vmem>>
    %dma_start3A_187 = tpu.memref_squeeze %dma_start3A_186 : memref<1x128x128xf32, #tpu.memory_space<vmem>> -> memref<128x128xf32, #tpu.memory_space<vmem>>
    tpu.enqueue_dma source(%dma_start3A_187 : memref<128x128xf32, #tpu.memory_space<vmem>>) target(%dma_start3A_183 : memref<128x128xf32, #tpu.memory_space<hbm>>) target_semaphore(%arg16 : memref<!tpu.dma_semaphore, #tpu.memory_space<semaphore_mem>>)
    %dma_wait3A_188 = arith.constant 0 : i32
    %dma_wait3A_189 = arith.constant 0 : i32
    %dma_wait3A_190 = arith.constant 0 : i32
    %dma_wait3A_191 = tpu.memref_slice %arg6[%dma_wait3A_188, %dma_wait3A_189, %dma_wait3A_190] : memref<6x128x128xf32, #tpu.memory_space<vmem>> -> memref<1x128x128xf32, #tpu.memory_space<vmem>>
    %dma_wait3A_192 = tpu.memref_squeeze %dma_wait3A_191 : memref<1x128x128xf32, #tpu.memory_space<vmem>> -> memref<128x128xf32, #tpu.memory_space<vmem>>
    %dma_wait3A_193 = arith.constant 0 : i32
    %dma_wait3A_194 = arith.constant 0 : i32
    %dma_wait3A_195 = tpu.memref_slice %arg4[%dma_wait3A_193, %dma_wait3A_194] : memref<819200x128xf32, #tpu.memory_space<hbm>> -> memref<128x128xf32, #tpu.memory_space<hbm>>
    %dma_wait3A_196 = arith.constant 0 : i32
    %dma_wait3A_197 = arith.constant 0 : i32
    %dma_wait3A_198 = tpu.memref_slice %arg4[%dma_wait3A_196, %dma_wait3A_197] : memref<819200x128xf32, #tpu.memory_space<hbm>> -> memref<128x128xf32, #tpu.memory_space<hbm>>
    %dma_wait3A_199 = arith.constant 0 : i32
    %dma_wait3A_200 = arith.constant 0 : i32
    %dma_wait3A_201 = tpu.memref_slice %arg6[%dma_wait3A_188, %dma_wait3A_199, %dma_wait3A_200] : memref<6x128x128xf32, #tpu.memory_space<vmem>> -> memref<1x128x128xf32, #tpu.memory_space<vmem>>
    %dma_wait3A_202 = tpu.memref_squeeze %dma_wait3A_201 : memref<1x128x128xf32, #tpu.memory_space<vmem>> -> memref<128x128xf32, #tpu.memory_space<vmem>>
    tpu.wait_dma2 semaphore(%arg13 : memref<!tpu.dma_semaphore, #tpu.memory_space<semaphore_mem>>) src(%dma_wait3A_202 : memref<128x128xf32, #tpu.memory_space<vmem>>) dst(%dma_wait3A_198 : memref<128x128xf32, #tpu.memory_space<hbm>>)
    %dma_start3A_203 = arith.constant 198 : i32
    %dma_start3A_204 = arith.constant 0 : i32
    %dma_start3A_205 = arith.constant 0 : i32
    %dma_start3A_206 = arith.constant 0 : i32
    %dma_start3A_207 = tpu.memref_slice %arg6[%dma_start3A_204, %dma_start3A_205, %dma_start3A_206] : memref<6x128x128xf32, #tpu.memory_space<vmem>> -> memref<1x128x128xf32, #tpu.memory_space<vmem>>
    %dma_start3A_208 = tpu.memref_squeeze %dma_start3A_207 : memref<1x128x128xf32, #tpu.memory_space<vmem>> -> memref<128x128xf32, #tpu.memory_space<vmem>>
    %dma_start3A_209 = arith.constant 0 : i32
    %dma_start3A_210 = tpu.memref_slice %arg5[%dma_start3A_203, %dma_start3A_209] : memref<200x128xi32, #tpu.memory_space<vmem>> -> memref<1x128xi32, #tpu.memory_space<vmem>>
    %dma_start3A_211 = tpu.memref_squeeze %dma_start3A_210 : memref<1x128xi32, #tpu.memory_space<vmem>> -> memref<128xi32, #tpu.memory_space<vmem>>
    %dma_start3A_212 = arith.constant 0 : i32
    %dma_start3A_213 = arith.constant 0 : i32
    %dma_start3A_214 = tpu.memref_slice %arg3[%dma_start3A_212, %dma_start3A_213] : memref<100000x128xf32, #tpu.memory_space<hbm>> -> memref<100000x128xf32, #tpu.memory_space<hbm>>
    tpu.enqueue_indirect_dma source(%dma_start3A_214 : memref<100000x128xf32, #tpu.memory_space<hbm>>) target(%dma_start3A_208 : memref<128x128xf32, #tpu.memory_space<vmem>>) offsets(%dma_start3A_211 : memref<128xi32, #tpu.memory_space<vmem>>) semaphore(%arg7 : memref<!tpu.dma_semaphore, #tpu.memory_space<semaphore_mem>>)
    %dma_wait3A_215 = arith.constant 0 : i32
    %dma_wait3A_216 = arith.constant 4 : i32
    %dma_wait3A_217 = arith.constant 0 : i32
    %dma_wait3A_218 = arith.constant 0 : i32
    %dma_wait3A_219 = tpu.memref_slice %arg6[%dma_wait3A_216, %dma_wait3A_217, %dma_wait3A_218] : memref<6x128x128xf32, #tpu.memory_space<vmem>> -> memref<1x128x128xf32, #tpu.memory_space<vmem>>
    %dma_wait3A_220 = tpu.memref_squeeze %dma_wait3A_219 : memref<1x128x128xf32, #tpu.memory_space<vmem>> -> memref<128x128xf32, #tpu.memory_space<vmem>>
    %dma_wait3A_221 = arith.constant 0 : i32
    %dma_wait3A_222 = tpu.memref_slice %arg5[%dma_wait3A_215, %dma_wait3A_221] : memref<200x128xi32, #tpu.memory_space<vmem>> -> memref<1x128xi32, #tpu.memory_space<vmem>>
    %dma_wait3A_223 = tpu.memref_squeeze %dma_wait3A_222 : memref<1x128xi32, #tpu.memory_space<vmem>> -> memref<128xi32, #tpu.memory_space<vmem>>
    %dma_wait3A_224 = arith.constant 0 : i32
    %dma_wait3A_225 = arith.constant 0 : i32
    %dma_wait3A_226 = tpu.memref_slice %arg3[%dma_wait3A_224, %dma_wait3A_225] : memref<100000x128xf32, #tpu.memory_space<hbm>> -> memref<100000x128xf32, #tpu.memory_space<hbm>>
    tpu.wait_indirect_dma semaphore(%arg11 : memref<!tpu.dma_semaphore, #tpu.memory_space<semaphore_mem>>) src(%dma_wait3A_226 : memref<100000x128xf32, #tpu.memory_space<hbm>>) dst(%dma_wait3A_220 : memref<128x128xf32, #tpu.memory_space<vmem>>)
    %add3A_227 = arith.constant 25088 : i32
    %add3A_228 = arith.addi %mul3A_4, %add3A_227 : i32
    %dma_start3A_229 = arith.constant 4 : i32
    %dma_start3A_230 = arith.constant 0 : i32
    %dma_start3A_231 = arith.constant 0 : i32
    %dma_start3A_232 = tpu.memref_slice %arg6[%dma_start3A_229, %dma_start3A_230, %dma_start3A_231] : memref<6x128x128xf32, #tpu.memory_space<vmem>> -> memref<1x128x128xf32, #tpu.memory_space<vmem>>
    %dma_start3A_233 = tpu.memref_squeeze %dma_start3A_232 : memref<1x128x128xf32, #tpu.memory_space<vmem>> -> memref<128x128xf32, #tpu.memory_space<vmem>>
    %dma_start3A_234 = arith.constant 0 : i32
    %dma_start3A_235 = tpu.memref_slice %arg4[%add3A_228, %dma_start3A_234] : memref<819200x128xf32, #tpu.memory_space<hbm>> -> memref<128x128xf32, #tpu.memory_space<hbm>>
    %dma_start3A_236 = arith.constant 0 : i32
    %dma_start3A_237 = tpu.memref_slice %arg4[%add3A_228, %dma_start3A_236] : memref<819200x128xf32, #tpu.memory_space<hbm>> -> memref<128x128xf32, #tpu.memory_space<hbm>>
    %dma_start3A_238 = arith.constant 0 : i32
    %dma_start3A_239 = arith.constant 0 : i32
    %dma_start3A_240 = tpu.memref_slice %arg6[%dma_start3A_229, %dma_start3A_238, %dma_start3A_239] : memref<6x128x128xf32, #tpu.memory_space<vmem>> -> memref<1x128x128xf32, #tpu.memory_space<vmem>>
    %dma_start3A_241 = tpu.memref_squeeze %dma_start3A_240 : memref<1x128x128xf32, #tpu.memory_space<vmem>> -> memref<128x128xf32, #tpu.memory_space<vmem>>
    tpu.enqueue_dma source(%dma_start3A_241 : memref<128x128xf32, #tpu.memory_space<vmem>>) target(%dma_start3A_237 : memref<128x128xf32, #tpu.memory_space<hbm>>) target_semaphore(%arg17 : memref<!tpu.dma_semaphore, #tpu.memory_space<semaphore_mem>>)
    %dma_wait3A_242 = arith.constant 1 : i32
    %dma_wait3A_243 = arith.constant 0 : i32
    %dma_wait3A_244 = arith.constant 0 : i32
    %dma_wait3A_245 = tpu.memref_slice %arg6[%dma_wait3A_242, %dma_wait3A_243, %dma_wait3A_244] : memref<6x128x128xf32, #tpu.memory_space<vmem>> -> memref<1x128x128xf32, #tpu.memory_space<vmem>>
    %dma_wait3A_246 = tpu.memref_squeeze %dma_wait3A_245 : memref<1x128x128xf32, #tpu.memory_space<vmem>> -> memref<128x128xf32, #tpu.memory_space<vmem>>
    %dma_wait3A_247 = arith.constant 0 : i32
    %dma_wait3A_248 = arith.constant 0 : i32
    %dma_wait3A_249 = tpu.memref_slice %arg4[%dma_wait3A_247, %dma_wait3A_248] : memref<819200x128xf32, #tpu.memory_space<hbm>> -> memref<128x128xf32, #tpu.memory_space<hbm>>
    %dma_wait3A_250 = arith.constant 0 : i32
    %dma_wait3A_251 = arith.constant 0 : i32
    %dma_wait3A_252 = tpu.memref_slice %arg4[%dma_wait3A_250, %dma_wait3A_251] : memref<819200x128xf32, #tpu.memory_space<hbm>> -> memref<128x128xf32, #tpu.memory_space<hbm>>
    %dma_wait3A_253 = arith.constant 0 : i32
    %dma_wait3A_254 = arith.constant 0 : i32
    %dma_wait3A_255 = tpu.memref_slice %arg6[%dma_wait3A_242, %dma_wait3A_253, %dma_wait3A_254] : memref<6x128x128xf32, #tpu.memory_space<vmem>> -> memref<1x128x128xf32, #tpu.memory_space<vmem>>
    %dma_wait3A_256 = tpu.memref_squeeze %dma_wait3A_255 : memref<1x128x128xf32, #tpu.memory_space<vmem>> -> memref<128x128xf32, #tpu.memory_space<vmem>>
    tpu.wait_dma2 semaphore(%arg14 : memref<!tpu.dma_semaphore, #tpu.memory_space<semaphore_mem>>) src(%dma_wait3A_256 : memref<128x128xf32, #tpu.memory_space<vmem>>) dst(%dma_wait3A_252 : memref<128x128xf32, #tpu.memory_space<hbm>>)
    %dma_start3A_257 = arith.constant 199 : i32
    %dma_start3A_258 = arith.constant 1 : i32
    %dma_start3A_259 = arith.constant 0 : i32
    %dma_start3A_260 = arith.constant 0 : i32
    %dma_start3A_261 = tpu.memref_slice %arg6[%dma_start3A_258, %dma_start3A_259, %dma_start3A_260] : memref<6x128x128xf32, #tpu.memory_space<vmem>> -> memref<1x128x128xf32, #tpu.memory_space<vmem>>
    %dma_start3A_262 = tpu.memref_squeeze %dma_start3A_261 : memref<1x128x128xf32, #tpu.memory_space<vmem>> -> memref<128x128xf32, #tpu.memory_space<vmem>>
    %dma_start3A_263 = arith.constant 0 : i32
    %dma_start3A_264 = tpu.memref_slice %arg5[%dma_start3A_257, %dma_start3A_263] : memref<200x128xi32, #tpu.memory_space<vmem>> -> memref<1x128xi32, #tpu.memory_space<vmem>>
    %dma_start3A_265 = tpu.memref_squeeze %dma_start3A_264 : memref<1x128xi32, #tpu.memory_space<vmem>> -> memref<128xi32, #tpu.memory_space<vmem>>
    %dma_start3A_266 = arith.constant 0 : i32
    %dma_start3A_267 = arith.constant 0 : i32
    %dma_start3A_268 = tpu.memref_slice %arg3[%dma_start3A_266, %dma_start3A_267] : memref<100000x128xf32, #tpu.memory_space<hbm>> -> memref<100000x128xf32, #tpu.memory_space<hbm>>
    tpu.enqueue_indirect_dma source(%dma_start3A_268 : memref<100000x128xf32, #tpu.memory_space<hbm>>) target(%dma_start3A_262 : memref<128x128xf32, #tpu.memory_space<vmem>>) offsets(%dma_start3A_265 : memref<128xi32, #tpu.memory_space<vmem>>) semaphore(%arg8 : memref<!tpu.dma_semaphore, #tpu.memory_space<semaphore_mem>>)
    %dma_wait3A_269 = arith.constant 0 : i32
    %dma_wait3A_270 = arith.constant 5 : i32
    %dma_wait3A_271 = arith.constant 0 : i32
    %dma_wait3A_272 = arith.constant 0 : i32
    %dma_wait3A_273 = tpu.memref_slice %arg6[%dma_wait3A_270, %dma_wait3A_271, %dma_wait3A_272] : memref<6x128x128xf32, #tpu.memory_space<vmem>> -> memref<1x128x128xf32, #tpu.memory_space<vmem>>
    %dma_wait3A_274 = tpu.memref_squeeze %dma_wait3A_273 : memref<1x128x128xf32, #tpu.memory_space<vmem>> -> memref<128x128xf32, #tpu.memory_space<vmem>>
    %dma_wait3A_275 = arith.constant 0 : i32
    %dma_wait3A_276 = tpu.memref_slice %arg5[%dma_wait3A_269, %dma_wait3A_275] : memref<200x128xi32, #tpu.memory_space<vmem>> -> memref<1x128xi32, #tpu.memory_space<vmem>>
    %dma_wait3A_277 = tpu.memref_squeeze %dma_wait3A_276 : memref<1x128xi32, #tpu.memory_space<vmem>> -> memref<128xi32, #tpu.memory_space<vmem>>
    %dma_wait3A_278 = arith.constant 0 : i32
    %dma_wait3A_279 = arith.constant 0 : i32
    %dma_wait3A_280 = tpu.memref_slice %arg3[%dma_wait3A_278, %dma_wait3A_279] : memref<100000x128xf32, #tpu.memory_space<hbm>> -> memref<100000x128xf32, #tpu.memory_space<hbm>>
    tpu.wait_indirect_dma semaphore(%arg12 : memref<!tpu.dma_semaphore, #tpu.memory_space<semaphore_mem>>) src(%dma_wait3A_280 : memref<100000x128xf32, #tpu.memory_space<hbm>>) dst(%dma_wait3A_274 : memref<128x128xf32, #tpu.memory_space<vmem>>)
    %add3A_281 = arith.constant 25216 : i32
    %add3A_282 = arith.addi %mul3A_4, %add3A_281 : i32
    %dma_start3A_283 = arith.constant 5 : i32
    %dma_start3A_284 = arith.constant 0 : i32
    %dma_start3A_285 = arith.constant 0 : i32
    %dma_start3A_286 = tpu.memref_slice %arg6[%dma_start3A_283, %dma_start3A_284, %dma_start3A_285] : memref<6x128x128xf32, #tpu.memory_space<vmem>> -> memref<1x128x128xf32, #tpu.memory_space<vmem>>
    %dma_start3A_287 = tpu.memref_squeeze %dma_start3A_286 : memref<1x128x128xf32, #tpu.memory_space<vmem>> -> memref<128x128xf32, #tpu.memory_space<vmem>>
    %dma_start3A_288 = arith.constant 0 : i32
    %dma_start3A_289 = tpu.memref_slice %arg4[%add3A_282, %dma_start3A_288] : memref<819200x128xf32, #tpu.memory_space<hbm>> -> memref<128x128xf32, #tpu.memory_space<hbm>>
    %dma_start3A_290 = arith.constant 0 : i32
    %dma_start3A_291 = tpu.memref_slice %arg4[%add3A_282, %dma_start3A_290] : memref<819200x128xf32, #tpu.memory_space<hbm>> -> memref<128x128xf32, #tpu.memory_space<hbm>>
    %dma_start3A_292 = arith.constant 0 : i32
    %dma_start3A_293 = arith.constant 0 : i32
    %dma_start3A_294 = tpu.memref_slice %arg6[%dma_start3A_283, %dma_start3A_292, %dma_start3A_293] : memref<6x128x128xf32, #tpu.memory_space<vmem>> -> memref<1x128x128xf32, #tpu.memory_space<vmem>>
    %dma_start3A_295 = tpu.memref_squeeze %dma_start3A_294 : memref<1x128x128xf32, #tpu.memory_space<vmem>> -> memref<128x128xf32, #tpu.memory_space<vmem>>
    tpu.enqueue_dma source(%dma_start3A_295 : memref<128x128xf32, #tpu.memory_space<vmem>>) target(%dma_start3A_291 : memref<128x128xf32, #tpu.memory_space<hbm>>) target_semaphore(%arg18 : memref<!tpu.dma_semaphore, #tpu.memory_space<semaphore_mem>>)
    %dma_wait3A_296 = arith.constant 2 : i32
    %dma_wait3A_297 = arith.constant 0 : i32
    %dma_wait3A_298 = arith.constant 0 : i32
    %dma_wait3A_299 = tpu.memref_slice %arg6[%dma_wait3A_296, %dma_wait3A_297, %dma_wait3A_298] : memref<6x128x128xf32, #tpu.memory_space<vmem>> -> memref<1x128x128xf32, #tpu.memory_space<vmem>>
    %dma_wait3A_300 = tpu.memref_squeeze %dma_wait3A_299 : memref<1x128x128xf32, #tpu.memory_space<vmem>> -> memref<128x128xf32, #tpu.memory_space<vmem>>
    %dma_wait3A_301 = arith.constant 0 : i32
    %dma_wait3A_302 = arith.constant 0 : i32
    %dma_wait3A_303 = tpu.memref_slice %arg4[%dma_wait3A_301, %dma_wait3A_302] : memref<819200x128xf32, #tpu.memory_space<hbm>> -> memref<128x128xf32, #tpu.memory_space<hbm>>
    %dma_wait3A_304 = arith.constant 0 : i32
    %dma_wait3A_305 = arith.constant 0 : i32
    %dma_wait3A_306 = tpu.memref_slice %arg4[%dma_wait3A_304, %dma_wait3A_305] : memref<819200x128xf32, #tpu.memory_space<hbm>> -> memref<128x128xf32, #tpu.memory_space<hbm>>
    %dma_wait3A_307 = arith.constant 0 : i32
    %dma_wait3A_308 = arith.constant 0 : i32
    %dma_wait3A_309 = tpu.memref_slice %arg6[%dma_wait3A_296, %dma_wait3A_307, %dma_wait3A_308] : memref<6x128x128xf32, #tpu.memory_space<vmem>> -> memref<1x128x128xf32, #tpu.memory_space<vmem>>
    %dma_wait3A_310 = tpu.memref_squeeze %dma_wait3A_309 : memref<1x128x128xf32, #tpu.memory_space<vmem>> -> memref<128x128xf32, #tpu.memory_space<vmem>>
    tpu.wait_dma2 semaphore(%arg15 : memref<!tpu.dma_semaphore, #tpu.memory_space<semaphore_mem>>) src(%dma_wait3A_310 : memref<128x128xf32, #tpu.memory_space<vmem>>) dst(%dma_wait3A_306 : memref<128x128xf32, #tpu.memory_space<hbm>>)
    %dma_wait3A_311 = arith.constant 0 : i32
    %dma_wait3A_312 = arith.constant 0 : i32
    %dma_wait3A_313 = arith.constant 0 : i32
    %dma_wait3A_314 = arith.constant 0 : i32
    %dma_wait3A_315 = tpu.memref_slice %arg6[%dma_wait3A_312, %dma_wait3A_313, %dma_wait3A_314] : memref<6x128x128xf32, #tpu.memory_space<vmem>> -> memref<1x128x128xf32, #tpu.memory_space<vmem>>
    %dma_wait3A_316 = tpu.memref_squeeze %dma_wait3A_315 : memref<1x128x128xf32, #tpu.memory_space<vmem>> -> memref<128x128xf32, #tpu.memory_space<vmem>>
    %dma_wait3A_317 = arith.constant 0 : i32
    %dma_wait3A_318 = tpu.memref_slice %arg5[%dma_wait3A_311, %dma_wait3A_317] : memref<200x128xi32, #tpu.memory_space<vmem>> -> memref<1x128xi32, #tpu.memory_space<vmem>>
    %dma_wait3A_319 = tpu.memref_squeeze %dma_wait3A_318 : memref<1x128xi32, #tpu.memory_space<vmem>> -> memref<128xi32, #tpu.memory_space<vmem>>
    %dma_wait3A_320 = arith.constant 0 : i32
    %dma_wait3A_321 = arith.constant 0 : i32
    %dma_wait3A_322 = tpu.memref_slice %arg3[%dma_wait3A_320, %dma_wait3A_321] : memref<100000x128xf32, #tpu.memory_space<hbm>> -> memref<100000x128xf32, #tpu.memory_space<hbm>>
    tpu.wait_indirect_dma semaphore(%arg7 : memref<!tpu.dma_semaphore, #tpu.memory_space<semaphore_mem>>) src(%dma_wait3A_322 : memref<100000x128xf32, #tpu.memory_space<hbm>>) dst(%dma_wait3A_316 : memref<128x128xf32, #tpu.memory_space<vmem>>)
    %add3A_323 = arith.constant 25344 : i32
    %add3A_324 = arith.addi %mul3A_4, %add3A_323 : i32
    %dma_start3A_325 = arith.constant 0 : i32
    %dma_start3A_326 = arith.constant 0 : i32
    %dma_start3A_327 = arith.constant 0 : i32
    %dma_start3A_328 = tpu.memref_slice %arg6[%dma_start3A_325, %dma_start3A_326, %dma_start3A_327] : memref<6x128x128xf32, #tpu.memory_space<vmem>> -> memref<1x128x128xf32, #tpu.memory_space<vmem>>
    %dma_start3A_329 = tpu.memref_squeeze %dma_start3A_328 : memref<1x128x128xf32, #tpu.memory_space<vmem>> -> memref<128x128xf32, #tpu.memory_space<vmem>>
    %dma_start3A_330 = arith.constant 0 : i32
    %dma_start3A_331 = tpu.memref_slice %arg4[%add3A_324, %dma_start3A_330] : memref<819200x128xf32, #tpu.memory_space<hbm>> -> memref<128x128xf32, #tpu.memory_space<hbm>>
    %dma_start3A_332 = arith.constant 0 : i32
    %dma_start3A_333 = tpu.memref_slice %arg4[%add3A_324, %dma_start3A_332] : memref<819200x128xf32, #tpu.memory_space<hbm>> -> memref<128x128xf32, #tpu.memory_space<hbm>>
    %dma_start3A_334 = arith.constant 0 : i32
    %dma_start3A_335 = arith.constant 0 : i32
    %dma_start3A_336 = tpu.memref_slice %arg6[%dma_start3A_325, %dma_start3A_334, %dma_start3A_335] : memref<6x128x128xf32, #tpu.memory_space<vmem>> -> memref<1x128x128xf32, #tpu.memory_space<vmem>>
    %dma_start3A_337 = tpu.memref_squeeze %dma_start3A_336 : memref<1x128x128xf32, #tpu.memory_space<vmem>> -> memref<128x128xf32, #tpu.memory_space<vmem>>
    tpu.enqueue_dma source(%dma_start3A_337 : memref<128x128xf32, #tpu.memory_space<vmem>>) target(%dma_start3A_333 : memref<128x128xf32, #tpu.memory_space<hbm>>) target_semaphore(%arg13 : memref<!tpu.dma_semaphore, #tpu.memory_space<semaphore_mem>>)
    %dma_wait3A_338 = arith.constant 3 : i32
    %dma_wait3A_339 = arith.constant 0 : i32
    %dma_wait3A_340 = arith.constant 0 : i32
    %dma_wait3A_341 = tpu.memref_slice %arg6[%dma_wait3A_338, %dma_wait3A_339, %dma_wait3A_340] : memref<6x128x128xf32, #tpu.memory_space<vmem>> -> memref<1x128x128xf32, #tpu.memory_space<vmem>>
    %dma_wait3A_342 = tpu.memref_squeeze %dma_wait3A_341 : memref<1x128x128xf32, #tpu.memory_space<vmem>> -> memref<128x128xf32, #tpu.memory_space<vmem>>
    %dma_wait3A_343 = arith.constant 0 : i32
    %dma_wait3A_344 = arith.constant 0 : i32
    %dma_wait3A_345 = tpu.memref_slice %arg4[%dma_wait3A_343, %dma_wait3A_344] : memref<819200x128xf32, #tpu.memory_space<hbm>> -> memref<128x128xf32, #tpu.memory_space<hbm>>
    %dma_wait3A_346 = arith.constant 0 : i32
    %dma_wait3A_347 = arith.constant 0 : i32
    %dma_wait3A_348 = tpu.memref_slice %arg4[%dma_wait3A_346, %dma_wait3A_347] : memref<819200x128xf32, #tpu.memory_space<hbm>> -> memref<128x128xf32, #tpu.memory_space<hbm>>
    %dma_wait3A_349 = arith.constant 0 : i32
    %dma_wait3A_350 = arith.constant 0 : i32
    %dma_wait3A_351 = tpu.memref_slice %arg6[%dma_wait3A_338, %dma_wait3A_349, %dma_wait3A_350] : memref<6x128x128xf32, #tpu.memory_space<vmem>> -> memref<1x128x128xf32, #tpu.memory_space<vmem>>
    %dma_wait3A_352 = tpu.memref_squeeze %dma_wait3A_351 : memref<1x128x128xf32, #tpu.memory_space<vmem>> -> memref<128x128xf32, #tpu.memory_space<vmem>>
    tpu.wait_dma2 semaphore(%arg16 : memref<!tpu.dma_semaphore, #tpu.memory_space<semaphore_mem>>) src(%dma_wait3A_352 : memref<128x128xf32, #tpu.memory_space<vmem>>) dst(%dma_wait3A_348 : memref<128x128xf32, #tpu.memory_space<hbm>>)
    %dma_wait3A_353 = arith.constant 0 : i32
    %dma_wait3A_354 = arith.constant 1 : i32
    %dma_wait3A_355 = arith.constant 0 : i32
    %dma_wait3A_356 = arith.constant 0 : i32
    %dma_wait3A_357 = tpu.memref_slice %arg6[%dma_wait3A_354, %dma_wait3A_355, %dma_wait3A_356] : memref<6x128x128xf32, #tpu.memory_space<vmem>> -> memref<1x128x128xf32, #tpu.memory_space<vmem>>
    %dma_wait3A_358 = tpu.memref_squeeze %dma_wait3A_357 : memref<1x128x128xf32, #tpu.memory_space<vmem>> -> memref<128x128xf32, #tpu.memory_space<vmem>>
    %dma_wait3A_359 = arith.constant 0 : i32
    %dma_wait3A_360 = tpu.memref_slice %arg5[%dma_wait3A_353, %dma_wait3A_359] : memref<200x128xi32, #tpu.memory_space<vmem>> -> memref<1x128xi32, #tpu.memory_space<vmem>>
    %dma_wait3A_361 = tpu.memref_squeeze %dma_wait3A_360 : memref<1x128xi32, #tpu.memory_space<vmem>> -> memref<128xi32, #tpu.memory_space<vmem>>
    %dma_wait3A_362 = arith.constant 0 : i32
    %dma_wait3A_363 = arith.constant 0 : i32
    %dma_wait3A_364 = tpu.memref_slice %arg3[%dma_wait3A_362, %dma_wait3A_363] : memref<100000x128xf32, #tpu.memory_space<hbm>> -> memref<100000x128xf32, #tpu.memory_space<hbm>>
    tpu.wait_indirect_dma semaphore(%arg8 : memref<!tpu.dma_semaphore, #tpu.memory_space<semaphore_mem>>) src(%dma_wait3A_364 : memref<100000x128xf32, #tpu.memory_space<hbm>>) dst(%dma_wait3A_358 : memref<128x128xf32, #tpu.memory_space<vmem>>)
    %add3A_365 = arith.constant 25472 : i32
    %add3A_366 = arith.addi %mul3A_4, %add3A_365 : i32
    %dma_start3A_367 = arith.constant 1 : i32
    %dma_start3A_368 = arith.constant 0 : i32
    %dma_start3A_369 = arith.constant 0 : i32
    %dma_start3A_370 = tpu.memref_slice %arg6[%dma_start3A_367, %dma_start3A_368, %dma_start3A_369] : memref<6x128x128xf32, #tpu.memory_space<vmem>> -> memref<1x128x128xf32, #tpu.memory_space<vmem>>
    %dma_start3A_371 = tpu.memref_squeeze %dma_start3A_370 : memref<1x128x128xf32, #tpu.memory_space<vmem>> -> memref<128x128xf32, #tpu.memory_space<vmem>>
    %dma_start3A_372 = arith.constant 0 : i32
    %dma_start3A_373 = tpu.memref_slice %arg4[%add3A_366, %dma_start3A_372] : memref<819200x128xf32, #tpu.memory_space<hbm>> -> memref<128x128xf32, #tpu.memory_space<hbm>>
    %dma_start3A_374 = arith.constant 0 : i32
    %dma_start3A_375 = tpu.memref_slice %arg4[%add3A_366, %dma_start3A_374] : memref<819200x128xf32, #tpu.memory_space<hbm>> -> memref<128x128xf32, #tpu.memory_space<hbm>>
    %dma_start3A_376 = arith.constant 0 : i32
    %dma_start3A_377 = arith.constant 0 : i32
    %dma_start3A_378 = tpu.memref_slice %arg6[%dma_start3A_367, %dma_start3A_376, %dma_start3A_377] : memref<6x128x128xf32, #tpu.memory_space<vmem>> -> memref<1x128x128xf32, #tpu.memory_space<vmem>>
    %dma_start3A_379 = tpu.memref_squeeze %dma_start3A_378 : memref<1x128x128xf32, #tpu.memory_space<vmem>> -> memref<128x128xf32, #tpu.memory_space<vmem>>
    tpu.enqueue_dma source(%dma_start3A_379 : memref<128x128xf32, #tpu.memory_space<vmem>>) target(%dma_start3A_375 : memref<128x128xf32, #tpu.memory_space<hbm>>) target_semaphore(%arg14 : memref<!tpu.dma_semaphore, #tpu.memory_space<semaphore_mem>>)
    %dma_wait3A_380 = arith.constant 4 : i32
    %dma_wait3A_381 = arith.constant 0 : i32
    %dma_wait3A_382 = arith.constant 0 : i32
    %dma_wait3A_383 = tpu.memref_slice %arg6[%dma_wait3A_380, %dma_wait3A_381, %dma_wait3A_382] : memref<6x128x128xf32, #tpu.memory_space<vmem>> -> memref<1x128x128xf32, #tpu.memory_space<vmem>>
    %dma_wait3A_384 = tpu.memref_squeeze %dma_wait3A_383 : memref<1x128x128xf32, #tpu.memory_space<vmem>> -> memref<128x128xf32, #tpu.memory_space<vmem>>
    %dma_wait3A_385 = arith.constant 0 : i32
    %dma_wait3A_386 = arith.constant 0 : i32
    %dma_wait3A_387 = tpu.memref_slice %arg4[%dma_wait3A_385, %dma_wait3A_386] : memref<819200x128xf32, #tpu.memory_space<hbm>> -> memref<128x128xf32, #tpu.memory_space<hbm>>
    %dma_wait3A_388 = arith.constant 0 : i32
    %dma_wait3A_389 = arith.constant 0 : i32
    %dma_wait3A_390 = tpu.memref_slice %arg4[%dma_wait3A_388, %dma_wait3A_389] : memref<819200x128xf32, #tpu.memory_space<hbm>> -> memref<128x128xf32, #tpu.memory_space<hbm>>
    %dma_wait3A_391 = arith.constant 0 : i32
    %dma_wait3A_392 = arith.constant 0 : i32
    %dma_wait3A_393 = tpu.memref_slice %arg6[%dma_wait3A_380, %dma_wait3A_391, %dma_wait3A_392] : memref<6x128x128xf32, #tpu.memory_space<vmem>> -> memref<1x128x128xf32, #tpu.memory_space<vmem>>
    %dma_wait3A_394 = tpu.memref_squeeze %dma_wait3A_393 : memref<1x128x128xf32, #tpu.memory_space<vmem>> -> memref<128x128xf32, #tpu.memory_space<vmem>>
    tpu.wait_dma2 semaphore(%arg17 : memref<!tpu.dma_semaphore, #tpu.memory_space<semaphore_mem>>) src(%dma_wait3A_394 : memref<128x128xf32, #tpu.memory_space<vmem>>) dst(%dma_wait3A_390 : memref<128x128xf32, #tpu.memory_space<hbm>>)
    %dma_wait3A_395 = arith.constant 5 : i32
    %dma_wait3A_396 = arith.constant 0 : i32
    %dma_wait3A_397 = arith.constant 0 : i32
    %dma_wait3A_398 = tpu.memref_slice %arg6[%dma_wait3A_395, %dma_wait3A_396, %dma_wait3A_397] : memref<6x128x128xf32, #tpu.memory_space<vmem>> -> memref<1x128x128xf32, #tpu.memory_space<vmem>>
    %dma_wait3A_399 = tpu.memref_squeeze %dma_wait3A_398 : memref<1x128x128xf32, #tpu.memory_space<vmem>> -> memref<128x128xf32, #tpu.memory_space<vmem>>
    %dma_wait3A_400 = arith.constant 0 : i32
    %dma_wait3A_401 = arith.constant 0 : i32
    %dma_wait3A_402 = tpu.memref_slice %arg4[%dma_wait3A_400, %dma_wait3A_401] : memref<819200x128xf32, #tpu.memory_space<hbm>> -> memref<128x128xf32, #tpu.memory_space<hbm>>
    %dma_wait3A_403 = arith.constant 0 : i32
    %dma_wait3A_404 = arith.constant 0 : i32
    %dma_wait3A_405 = tpu.memref_slice %arg4[%dma_wait3A_403, %dma_wait3A_404] : memref<819200x128xf32, #tpu.memory_space<hbm>> -> memref<128x128xf32, #tpu.memory_space<hbm>>
    %dma_wait3A_406 = arith.constant 0 : i32
    %dma_wait3A_407 = arith.constant 0 : i32
    %dma_wait3A_408 = tpu.memref_slice %arg6[%dma_wait3A_395, %dma_wait3A_406, %dma_wait3A_407] : memref<6x128x128xf32, #tpu.memory_space<vmem>> -> memref<1x128x128xf32, #tpu.memory_space<vmem>>
    %dma_wait3A_409 = tpu.memref_squeeze %dma_wait3A_408 : memref<1x128x128xf32, #tpu.memory_space<vmem>> -> memref<128x128xf32, #tpu.memory_space<vmem>>
    tpu.wait_dma2 semaphore(%arg18 : memref<!tpu.dma_semaphore, #tpu.memory_space<semaphore_mem>>) src(%dma_wait3A_409 : memref<128x128xf32, #tpu.memory_space<vmem>>) dst(%dma_wait3A_405 : memref<128x128xf32, #tpu.memory_space<hbm>>)
    %dma_wait3A_410 = arith.constant 0 : i32
    %dma_wait3A_411 = arith.constant 0 : i32
    %dma_wait3A_412 = arith.constant 0 : i32
    %dma_wait3A_413 = tpu.memref_slice %arg6[%dma_wait3A_410, %dma_wait3A_411, %dma_wait3A_412] : memref<6x128x128xf32, #tpu.memory_space<vmem>> -> memref<1x128x128xf32, #tpu.memory_space<vmem>>
    %dma_wait3A_414 = tpu.memref_squeeze %dma_wait3A_413 : memref<1x128x128xf32, #tpu.memory_space<vmem>> -> memref<128x128xf32, #tpu.memory_space<vmem>>
    %dma_wait3A_415 = arith.constant 0 : i32
    %dma_wait3A_416 = arith.constant 0 : i32
    %dma_wait3A_417 = tpu.memref_slice %arg4[%dma_wait3A_415, %dma_wait3A_416] : memref<819200x128xf32, #tpu.memory_space<hbm>> -> memref<128x128xf32, #tpu.memory_space<hbm>>
    %dma_wait3A_418 = arith.constant 0 : i32
    %dma_wait3A_419 = arith.constant 0 : i32
    %dma_wait3A_420 = tpu.memref_slice %arg4[%dma_wait3A_418, %dma_wait3A_419] : memref<819200x128xf32, #tpu.memory_space<hbm>> -> memref<128x128xf32, #tpu.memory_space<hbm>>
    %dma_wait3A_421 = arith.constant 0 : i32
    %dma_wait3A_422 = arith.constant 0 : i32
    %dma_wait3A_423 = tpu.memref_slice %arg6[%dma_wait3A_410, %dma_wait3A_421, %dma_wait3A_422] : memref<6x128x128xf32, #tpu.memory_space<vmem>> -> memref<1x128x128xf32, #tpu.memory_space<vmem>>
    %dma_wait3A_424 = tpu.memref_squeeze %dma_wait3A_423 : memref<1x128x128xf32, #tpu.memory_space<vmem>> -> memref<128x128xf32, #tpu.memory_space<vmem>>
    tpu.wait_dma2 semaphore(%arg13 : memref<!tpu.dma_semaphore, #tpu.memory_space<semaphore_mem>>) src(%dma_wait3A_424 : memref<128x128xf32, #tpu.memory_space<vmem>>) dst(%dma_wait3A_420 : memref<128x128xf32, #tpu.memory_space<hbm>>)
    %dma_wait3A_425 = arith.constant 1 : i32
    %dma_wait3A_426 = arith.constant 0 : i32
    %dma_wait3A_427 = arith.constant 0 : i32
    %dma_wait3A_428 = tpu.memref_slice %arg6[%dma_wait3A_425, %dma_wait3A_426, %dma_wait3A_427] : memref<6x128x128xf32, #tpu.memory_space<vmem>> -> memref<1x128x128xf32, #tpu.memory_space<vmem>>
    %dma_wait3A_429 = tpu.memref_squeeze %dma_wait3A_428 : memref<1x128x128xf32, #tpu.memory_space<vmem>> -> memref<128x128xf32, #tpu.memory_space<vmem>>
    %dma_wait3A_430 = arith.constant 0 : i32
    %dma_wait3A_431 = arith.constant 0 : i32
    %dma_wait3A_432 = tpu.memref_slice %arg4[%dma_wait3A_430, %dma_wait3A_431] : memref<819200x128xf32, #tpu.memory_space<hbm>> -> memref<128x128xf32, #tpu.memory_space<hbm>>
    %dma_wait3A_433 = arith.constant 0 : i32
    %dma_wait3A_434 = arith.constant 0 : i32
    %dma_wait3A_435 = tpu.memref_slice %arg4[%dma_wait3A_433, %dma_wait3A_434] : memref<819200x128xf32, #tpu.memory_space<hbm>> -> memref<128x128xf32, #tpu.memory_space<hbm>>
    %dma_wait3A_436 = arith.constant 0 : i32
    %dma_wait3A_437 = arith.constant 0 : i32
    %dma_wait3A_438 = tpu.memref_slice %arg6[%dma_wait3A_425, %dma_wait3A_436, %dma_wait3A_437] : memref<6x128x128xf32, #tpu.memory_space<vmem>> -> memref<1x128x128xf32, #tpu.memory_space<vmem>>
    %dma_wait3A_439 = tpu.memref_squeeze %dma_wait3A_438 : memref<1x128x128xf32, #tpu.memory_space<vmem>> -> memref<128x128xf32, #tpu.memory_space<vmem>>
    tpu.wait_dma2 semaphore(%arg14 : memref<!tpu.dma_semaphore, #tpu.memory_space<semaphore_mem>>) src(%dma_wait3A_439 : memref<128x128xf32, #tpu.memory_space<vmem>>) dst(%dma_wait3A_435 : memref<128x128xf32, #tpu.memory_space<hbm>>)
    return
  }
}

</mosaic_0001>

<sc_bundles>
// kernel: _emb_call.3.cloned.1.call-start
scs
__scs_entry_jumppad:
0x0: {  	(pc) =	sbr.rel $0x88, $3  }
0x1: {  	(tag) =	ssettag $0x0;
	lr =	simm.s32 $0x1  }
0x2: {  	[smem:$0x3F9F] =	sst lr;
	_ =	strace $0xD0000000  }
0x3: {  	_ = 	snop  }
0x4: {  	_ = 	snop  }
0x5: {  	_ = 	snop  }
0x6: {  	_ = 	snop  }
0x7: {  	_ = 	snop  }
__scs_overlays_trampoline_lowered:
0x8: {  	[smem:$0x3FAE] =	sst s0  }
0x9: {  	[smem:$0x3FAF] =	sst s1  }
0xa: {  	[smem:$0x3FB0] =	sst s2  }
0xb: {  	[smem:$0x3FB1] =	sst s3  }
0xc: {  	[smem:$0x3FB2] =	sst s4  }
0xd: {  	[smem:$0x3FB3] =	sst s5  }
0xe: {  	[smem:$0x3FB4] =	sst s6  }
0xf: {  	[smem:$0x3FB5] =	sst s7  }
0x10: {  	[smem:$0x3FB6] =	sst s8  }
0x11: {  	[smem:$0x3FB7] =	sst s9;
	s0 =	simm.s32 @!p0 $0x0  }
0x12: {  	s1 =	sld [smem:$0x3F9D];
	s0 =	simm.s32 @p0 $0x1  }
0x13: {  	[smem:$0x3FB8] =	sst s0;
	s0 =	simm.s32 @!p1 $0x0  }
0x14: {  	s2 =	sld [smem:$0x3F9C];
	s0 =	simm.s32 @p1 $0x1  }
0x15: {  	[smem:$0x3FB9] =	sst s0;
	s0 =	simm.s32 @!p2 $0x0  }
0x16: {  	s3 =	sld [smem:$0x3FDB];
	s0 =	simm.s32 @p2 $0x1  }
0x17: {  	s4 =	simm.s32 $0x1BF5;
	[smem:$0x3FBB] =	sst s0  }
0x18: {  	s0 =	sld [smem:$0x3F9E];
	_ =	swait.ge [sflag:s4], $0x0  }
0x19: {  	s7 =	sld [smem:$0x3F9F]  }
0x1a: {  	s8 =	sadd.s32 $0xFFFFE003, lr  }
0x1b: {  	s9 =	sadd.s32 $0xFFFFFEF7, lr;
	s5 =	simm.s32 $0xFFFFFFFF;
	p2 =	slt.u32 s8, $0xFFFFF086  }
0x1c: {  	p1 =	slt.u32 s9, $0xF7A;
	s5 =	simm.s32 @!p2 $0x0  }
0x1d: {  	s5 =	simm.s32 @p1 $0x1;
	p0 =	seq.s32 s7, s2  }
0x1e: {  	s7 =	smul.u32 @!p0 $0xF7A, s2;
	p2 =	seq.s32 @!p0 s5, $0x0  }
0x1f: {  	s9 =	smul.u32 $0xF7A, s1;
	s8 =	simm.s32 @!p0 $0x1BF5;
	p2 =	por !p2, p0  }
0x20: {  	[sflag:s8] =	ssyncset.s32 @!p0 $0xFFFFF086;
	s6 =	sadd.s32 @!p0 s3, s7;
	s7 =	simm.s32 @!p0 $0x108  }
0x21: {  	s3 =	sadd.s32 s3, s9;
	s6 =	sadd.s32 @!p0 $0x88, s6;
	s7 =	simm.s32 @p2 $0x1082  }
0x22: {  	[simem:s7], [sflag:s8] =	dma.local @!p0 [hbm:s6], $0xF7A  }
0x23: {  	s9 =	sor.u32 $0xD0000000, s2;
	s6 =	simm.s32 $0x108;
	_ =	swait.ge @!p0 [sflag:s8], $0x0  }
0x24: {  	s3 =	sadd.s32 $0x88, s3;
	s6 =	simm.s32 @!p1 $0x1082;
	[sflag:s4] =	ssyncset.s32 $0xFFFFF086  }
0x25: {  	[simem:s6], [sflag:s4] =	dma.local [hbm:s3], $0xF7A  }
0x26: {  	[smem:$0x3F9F] =	sst s1;
	(tag) =	ssettag s2;
	_ =	strace s9  }
0x27: {  	s1 =	sld [smem:$0x3FAF]  }
0x28: {  	s2 =	sld [smem:$0x3FB0]  }
0x29: {  	s4 =	sld [smem:$0x3FB2]  }
0x2a: {  	p0 =	seq.s32 s5, $0x0;
	s5 =	sld [smem:$0x3FB3]  }
0x2b: {  	s6 =	sld [smem:$0x3FB4]  }
0x2c: {  	s7 =	sld [smem:$0x3FB5]  }
0x2d: {  	s3 =	simm.s32 $0x108;
	s8 =	sld [smem:$0x3FB6]  }
0x2e: {  	s3 =	simm.s32 @!p0 $0x1082;
	s9 =	sld [smem:$0x3FB7]  }
0x2f: {  	lr =	sadd.s32 s0, s3;
	s0 =	sld [smem:$0x3FAE]  }
0x30: {  	s3 =	sld [smem:$0x3FB1]  }
0x31: {  	[smem:$0x3FBA] =	sst s10  }
0x32: {  	s10 =	sld [smem:$0x3FB8];
	_ =	sdelay $0x3  }
0x33: {  	p0 =	seq.s32 s10, $0x1;
	s10 =	sld [smem:$0x3FBA];
	_ =	sdelay $0x3  }
0x34: {  	[smem:$0x3FBA] =	sst s10  }
0x35: {  	s10 =	sld [smem:$0x3FB9];
	_ =	sdelay $0x3  }
0x36: {  	p1 =	seq.s32 s10, $0x1;
	s10 =	sld [smem:$0x3FBA];
	_ =	sdelay $0x3  }
0x37: {  	[smem:$0x3FBA] =	sst s10  }
0x38: {  	s10 =	sld [smem:$0x3FBB]  }
0x39: {  	_ = 	snop;
	(pc) =	sbr.ind lr, $3  }
0x3a: {  	_ = 	snop  }
0x3b: {  	_ = 	snop  }
0x3c: {  	p2 =	seq.s32 s10, $0x1;
	s10 =	sld [smem:$0x3FBA]  }
0x3d: {  	_ =	shalt  }
0x3e: {  	_ =	shalt  }
0x3f: {  	_ =	shalt  }
0x40: {  	_ =	shalt  }
0x41: {  	_ =	shalt  }
0x42: {  	_ =	shalt  }
0x43: {  	_ =	shalt  }
0x44: {  	_ =	shalt  }
0x45: {  	_ =	shalt  }
0x46: {  	_ =	shalt  }
0x47: {  	_ =	shalt  }
0x48: {  	_ =	shalt  }
0x49: {  	_ =	shalt  }
0x4a: {  	_ =	shalt  }
0x4b: {  	_ =	shalt  }
0x4c: {  	_ =	shalt  }
0x4d: {  	_ =	shalt  }
0x4e: {  	_ =	shalt  }
0x4f: {  	_ =	shalt  }
0x50: {  	_ =	shalt  }
0x51: {  	_ =	shalt  }
0x52: {  	_ =	shalt  }
0x53: {  	_ =	shalt  }
0x54: {  	_ =	shalt  }
0x55: {  	_ =	shalt  }
0x56: {  	_ =	shalt  }
0x57: {  	_ =	shalt  }
0x58: {  	_ =	shalt  }
0x59: {  	_ =	shalt  }
0x5a: {  	_ =	shalt  }
0x5b: {  	_ =	shalt  }
0x5c: {  	_ =	shalt  }
0x5d: {  	_ =	shalt  }
0x5e: {  	_ =	shalt  }
0x5f: {  	_ =	shalt  }
0x60: {  	_ =	shalt  }
0x61: {  	_ =	shalt  }
0x62: {  	_ =	shalt  }
0x63: {  	_ =	shalt  }
0x64: {  	_ =	shalt  }
0x65: {  	_ =	shalt  }
0x66: {  	_ =	shalt  }
0x67: {  	_ =	shalt  }
0x68: {  	_ =	shalt  }
0x69: {  	_ =	shalt  }
0x6a: {  	_ =	shalt  }
0x6b: {  	_ =	shalt  }
0x6c: {  	_ =	shalt  }
0x6d: {  	_ =	shalt  }
0x6e: {  	_ =	shalt  }
0x6f: {  	_ =	shalt  }
0x70: {  	_ =	shalt  }
0x71: {  	_ =	shalt  }
0x72: {  	_ =	shalt  }
0x73: {  	_ =	shalt  }
0x74: {  	_ =	shalt  }
0x75: {  	_ =	shalt  }
0x76: {  	_ =	shalt  }
0x77: {  	_ =	shalt  }
0x78: {  	_ =	shalt  }
0x79: {  	_ =	shalt  }
0x7a: {  	_ =	shalt  }
0x7b: {  	_ =	shalt  }
0x7c: {  	_ =	shalt  }
0x7d: {  	_ =	shalt  }
0x7e: {  	_ =	shalt  }
0x7f: {  	_ =	shalt  }
0x80: {  	_ =	shalt  }
0x81: {  	_ =	shalt  }
0x82: {  	_ =	shalt  }
0x83: {  	_ =	shalt  }
0x84: {  	_ =	shalt  }
0x85: {  	_ =	shalt  }
0x86: {  	_ =	shalt  }
0x87: {  	_ =	shalt  }
.Lfunc_end0:
.L_simem_size_0:
called_computation_lowered:
.L_overlay_start_0:
0x88: {  	s2 =	sld [smem:$0x3FD9]  }
0x89: {  	s3 =	sld [smem:$0x3FFE];
	_ =	sdelay $0x1  }
0x8a: {  	s1 =	srdreg.scid  }
0x8b: {  	s0 =	sand.u32 $0x1, s1  }
0x8c: {  	s18 =	sshll.u32 s0, $0xA;
	s2 =	sadd.s32 s3, s2  }
0x8d: {  	s2 =	sadd.s32 s2, s18  }
0x8e: {  	[smem:$0x3FC6] =	sst s2  }
0x8f: {  	_ = 	snop  }
0x90: {  	s2 =	sld [smem:$0x3FC9]  }
0x91: {  	s19 =	sld [smem:$0x3FC8]  }
0x92: {  	s4 =	sld [smem:$0x3FD0];
	(tm) =	ssettm $0x1  }
0x93: {  	s5 =	sld [smem:$0x3FFB];
	_ =	sdelay $0x3  }
0x94: {  	_ =	strace s5  }
0x95: {  	s5 =	sld [smem:$0x3FFC];
	_ =	sdelay $0x3  }
0x96: {  	_ =	strace s5  }
0x97: {  	s5 =	sld [smem:$0x3FFD];
	_ =	sdelay $0x3  }
0x98: {  	_ =	strace s5  }
0x99: {  	_ =	strace $0x8FFFFFFF  }
0x9a: {  	s20 =	sld [smem:$0x3FDB];
	_ =	sdelay $0x1  }
0x9b: {  	s6 =	simm.s32 $_scs_section_size  }
0x9c: {  	s7 =	simm.s32 $_size__tile_overlayer_lowered;
	s8 =	simm.s32 $_tile_overlayer_lowered  }
0x9d: {  	s23 =	simm.s32 $0x1BFF;
	s22 =	sshll.u32 s8, $0x1;
	s5 =	sadd.s32 s6, s20  }
0x9e: {  	s9 =	simm.s32 $0x0;
	s21 =	sshll.u32 s7, $0x1;
	s7 =	sadd.s32 s22, s5  }
0x9f: {  	[timem:s9], [sflag:s23] =	dma.local [hbm:s7], s21  }
0xa0: {  	_ =	swait.ge [sflag:s23], s21  }
0xa1: {  	s6 =	ssub.s32 $0x0, s21;
	[sflag:s23] =	ssyncset.done $0x0  }
0xa2: {  	[sflag:s23] =	ssyncadd.s32 s6;
	_ =	sdelay $0x1  }
0xa3: {  	s24 =	simm.s32 $0x1B8B  }
0xa4: {  	_ =	swait.ge [sflag:s24], $0x1  }
0xa5: {  	[sflag:s24] =	ssyncset.done $0x0  }
0xa6: {  	s25 =	simm.s32 $0x1B8E;
	[sflag:s24] =	ssyncadd.s32 $0xFFFFFFFF  }
0xa7: {  	s26 =	simm.s32 $execute0_lowered;
	[smem:$0x3FD2] =	sst s25  }
0xa8: {  	s6 =	sshll.u32 s26, $0x1;
	_ =	strace $0x80000046;
	[dreg:$0x1] =	wrdreg $0xFFFFFFFF  }
0xa9: {  	s28 =	simm.s32 $_size_execute0_lowered;
	s5 =	sadd.s32 s5, s6;
	[dreg:$0x0] =	wrdreg $0x0  }
0xaa: {  	s6 =	sshll.u32 s28, $0x1;
	[dreg:$0x2] =	wrdreg s5  }
0xab: {  	[dreg:$0x3] =	wrdreg s6  }
0xac: {  	[dreg:$0x4] =	wrdreg $0xC0  }
0xad: {  	_ =	task [dreg:s9], $0x5FFFF  }
0xae: {  	[dreg:$0x1] =	wrdreg $0xFFFFFFFF  }
0xaf: {  	[dreg:$0x0] =	wrdreg $0x60  }
0xb0: {  	[dreg:$0x2] =	wrdreg s2  }
0xb1: {  	[dreg:$0x3] =	wrdreg s19  }
0xb2: {  	[dreg:$0x4] =	wrdreg s4  }
0xb3: {  	[dreg:$0x5] =	wrdreg $0x9  }
0xb4: {  	_ =	task.clear_ibuf [dreg:s9], $0x6FFFF;
	_ =	strace $0x90000046  }
0xb5: {  	s29 =	simm.s32 $0x9;
	_ =	strace $0x80000048  }
0xb6: {  	_ =	swait.ge [sflag:s29], $0x1  }
0xb7: {  	[sflag:s29] =	ssyncadd.s32 $0xFFFFFFFF  }
0xb8: {  	_ =	strace $0x90000048  }
0xb9: {  	_ =	sfence  }
0xba: {  	s30 =	sld [smem:$0x0];
	_ =	sdelay $0x2  }
0xbb: {  	s31 =	sshll.u32 s1, $0xD;
	s1 =	sshrl.u32 s1, $0x2  }
0xbc: {  	s3 =	sand.u32 $0x4000, s31;
	s1 =	sadd.s32 s1, s30  }
0xbd: {  	s0 =	sor.u32 s3, s0;
	s1 =	sshll.u32 s1, $0x11  }
0xbe: {  	s0 =	sor.u32 s1, s0  }
0xbf: {  	s0 =	sadd.s32 $0x8F2B, s0  }
0xc0: {  	[sflag:s0] =	ssyncadd.remote.s32 $0x1  }
0xc1: {  	_ =	sfence.sel $0xFFFF  }
0xc2: {  	[dreg:$0x0] =	wrdreg $0xFFFFFFFF;
	(pc) =	sbr.abs _section_cstart, $3  }
0xc3: {  	[dreg:$0x1] =	wrdreg $0xFFFFFFFF  }
0xc4: {  	_ =	task.clear_ibuf [dreg:s9], $0x2FFFF;
	_ =	strace $0x9FFFFFFF  }
0xc5: {  	(tm) =	ssettm $0x7FFFFFFF  }
tec
execute0_lowered:
.L_overlay_start_1:
0x0: {  	(tag) =	ssettag $0x1  }
0x1: {  	s0 =	rddreg [dreg:$0x0]  }
0x2: {  	s2 =	rddreg [dreg:$0x1];
	s1 =	srdreg.scid  }
0x3: {  	s11 =	stileid.u32;
	s4 =	rddreg [dreg:$0x2];
	s3 =	simm.s32 $0x0  }
0x4: {  	s15 =	simm.s32 $0xD;
	s16 =	simm.s32 $0x80;
	s17 =	simm.s32 $0x6400  }
0x5: {  	s18 =	simm.s32 $0xA400;
	s28 =	simm.s32 $0x3;
	s30 =	simm.s32 $0x1A400  }
0x6: {  	s1 =	sand.u32 $0x1, s1;
	s5 =	sshll.u32 s11, $0x1;
	s22 =	smul.u32 $0xC8000, s11  }
0x7: {  	s5 =	sor.u32 s1, s5;
	s7 =	ssub.s32 $0x2, s1;
	s1 =	smul.u32 $0x64000, s1  }
0x8: {  	s31 =	simm.s32 $0x4;
	s19 =	simm.s32 $0x8;
	s6 =	smul.u32 $0x6400, s5  }
0x9: {  	s29 =	simm.s32 $0xA;
	[smem:$0x7FF] =	sst s3;
	s8 =	smul.u32 $0x64000, s5  }
0xa: {  	_ =	strace $0x80000047;
	s9 =	sshrl.u32 s7, $0x1;
	s10 =	smul.u32 $0x320000, s5  }
0xb: {  	s7 =	ssub.s32 s7, s9;
	s6 =	sshrl.u32 s6, $0x3;
	s5 =	sadd.s32 s4, s8  }
0xc: {  	s21 =	sshrl.u32 s10, $0x3;
	s13 =	smax.u32 s7, $0x1;
	s0 =	sadd.s32 s0, s6  }
0xd: {  	s7 =	simm.s32 $0x0;
	s20 =	sadd.s32 $0x800, s5;
	[dreg:$0x4] =	wrdreg s0  }
0xe: {  	s8 =	sadd.s32 $0x1000, s5;
	s6 =	simm.s32 $0xC;
	[dreg:$0x5] =	wrdreg s20  }
0xf: {  	[dreg:$0x6] =	wrdreg s8;
	s0 =	sadd.s32 s4, s21;
	s4 =	sadd.s32 s22, s4  }
0x10: {  	s20 =	simm.s32 $0xE400;
	s21 =	simm.s32 $0x1;
	s23 =	sadd.s32 $0x61800, s0  }
0x11: {  	s22 =	simm.s32 $0x6;
	s24 =	sadd.s32 $0x62000, s0;
	[dreg:$0x7] =	wrdreg s23  }
0x12: {  	s25 =	sadd.s32 $0x62800, s0;
	s26 =	sadd.s32 $0x63000, s0;
	[dreg:$0x8] =	wrdreg s24  }
0x13: {  	s1 =	sadd.s32 s1, s4;
	s12 =	sadd.s32 $0x63800, s0;
	[dreg:$0x9] =	wrdreg s25  }
0x14: {  	s0 =	simm.s32 $0x5;
	s4 =	simm.s32 $0xB;
	[dreg:$0xa] =	wrdreg s26  }
0x15: {  	s14 =	sadd.s32 $0x2000, s1;
	s23 =	simm.s32 $0x12400;
	s24 =	simm.s32 $0x2  }
0x16: {  	s26 =	simm.s32 $0x16400;
	s1 =	simm.s32 $0x7;
	s25 =	simm.s32 $0x9  }
.LBB2_1:
0x17: {  	s8 =	rddreg [dreg:$0x4]  }
0x18: {  	[tilespmem:s3], [sflag:$0xD] =	stream.linear.gather [hbm4b:s8+s3], $0x6400, $0x38;
	[tilespmem:$0x1E400] =	vst v63  }
0x19: {  	_ =	swait.ge [sflag:s15], $0x6400  }
0x1a: {  	[sflag:s15] =	ssyncset.done $0x0  }
0x1b: {  	[sflag:s15] =	ssyncadd.s32 $0xFFFF9C00  }
0x1c: {  	[tilespmem:s17], [sflag:$0x1] =	stream.indirect.gather [hbm4b:s2+s16], $0x80, s3, s16, $0xb8;
	[tilespmem:$0x1E400] =	vst v63  }
0x1d: {  	_ = 	snop  }
0x1e: {  	[tilespmem:s18], [sflag:$0x2] =	stream.indirect.gather [hbm4b:s2+s16], $0x80, s16, s16, $0xb8;
	[tilespmem:$0x1E400] =	vst v63  }
0x1f: {  	s11 =	simm.s32 $0x100  }
0x20: {  	[tilespmem:s20], [sflag:$0x3] =	stream.indirect.gather [hbm4b:s2+s16], $0x80, s11, s16, $0xb8;
	[tilespmem:$0x1E400] =	vst v63  }
0x21: {  	_ =	swait.ge [sflag:s21], $0x4000  }
0x22: {  	[sflag:s21] =	ssyncset.done $0x0  }
0x23: {  	[sflag:s21] =	ssyncadd.s32 $0xFFFFC000  }
0x24: {  	[hbm4b:s5+s3] =	stream.linear.scatter [tilespmem:s17], [sflag:$0x7], $0x4000, $0x38;
	[tilespmem:$0x1E400] =	vst v63  }
0x25: {  	s9 =	simm.s32 $0x180  }
0x26: {  	[tilespmem:s23], [sflag:$0x4] =	stream.indirect.gather [hbm4b:s2+s16], $0x80, s9, s16, $0xb8;
	[tilespmem:$0x1E400] =	vst v63  }
0x27: {  	_ =	swait.ge [sflag:s24], $0x4000  }
0x28: {  	[sflag:s24] =	ssyncset.done $0x0  }
0x29: {  	s10 =	rddreg [dreg:$0x5];
	[sflag:s24] =	ssyncadd.s32 $0xFFFFC000  }
0x2a: {  	[hbm4b:s10+s3] =	stream.linear.scatter [tilespmem:s18], [sflag:$0x8], $0x4000, $0x38;
	[tilespmem:$0x1E400] =	vst v63  }
0x2b: {  	s11 =	simm.s32 $0x200  }
0x2c: {  	[tilespmem:s26], [sflag:$0x5] =	stream.indirect.gather [hbm4b:s2+s16], $0x80, s11, s16, $0xb8;
	[tilespmem:$0x1E400] =	vst v63  }
0x2d: {  	_ =	swait.ge [sflag:s28], $0x4000  }
0x2e: {  	[sflag:s28] =	ssyncset.done $0x0  }
0x2f: {  	s9 =	rddreg [dreg:$0x6];
	[sflag:s28] =	ssyncadd.s32 $0xFFFFC000  }
0x30: {  	[hbm4b:s9+s3] =	stream.linear.scatter [tilespmem:s20], [sflag:$0x9], $0x4000, $0x38;
	[tilespmem:$0x1E400] =	vst v63  }
0x31: {  	s10 =	simm.s32 $0x280  }
0x32: {  	[tilespmem:s30], [sflag:$0x6] =	stream.indirect.gather [hbm4b:s2+s16], $0x80, s10, s16, $0xb8;
	[tilespmem:$0x1E400] =	vst v63  }
0x33: {  	_ =	swait.ge [sflag:s31], $0x4000  }
0x34: {  	[sflag:s31] =	ssyncset.done $0x0  }
0x35: {  	s11 =	sadd.s32 $0xFFFFF800, s14;
	[sflag:s31] =	ssyncadd.s32 $0xFFFFC000  }
0x36: {  	[hbm4b:s11+s3] =	stream.linear.scatter [tilespmem:s23], [sflag:$0xA], $0x4000, $0x38;
	[tilespmem:$0x1E400] =	vst v63  }
0x37: {  	_ =	swait.ge [sflag:s1], $0x4000  }
0x38: {  	[sflag:s1] =	ssyncset.done $0x0  }
0x39: {  	s9 =	simm.s32 $0x300;
	[sflag:s1] =	ssyncadd.s32 $0xFFFFC000  }
0x3a: {  	[tilespmem:s17], [sflag:$0x1] =	stream.indirect.gather [hbm4b:s2+s16], $0x80, s9, s16, $0xb8;
	[tilespmem:$0x1E400] =	vst v63  }
0x3b: {  	_ =	swait.ge [sflag:s0], $0x4000  }
0x3c: {  	[sflag:s0] =	ssyncset.done $0x0  }
0x3d: {  	[sflag:s0] =	ssyncadd.s32 $0xFFFFC000  }
0x3e: {  	[hbm4b:s14+s3] =	stream.linear.scatter [tilespmem:s26], [sflag:$0xB], $0x4000, $0x38;
	[tilespmem:$0x1E400] =	vst v63  }
0x3f: {  	_ =	swait.ge [sflag:s19], $0x4000  }
0x40: {  	[sflag:s19] =	ssyncset.done $0x0  }
0x41: {  	s10 =	simm.s32 $0x380;
	[sflag:s19] =	ssyncadd.s32 $0xFFFFC000  }
0x42: {  	[tilespmem:s18], [sflag:$0x2] =	stream.indirect.gather [hbm4b:s2+s16], $0x80, s10, s16, $0xb8;
	[tilespmem:$0x1E400] =	vst v63  }
0x43: {  	_ =	swait.ge [sflag:s22], $0x4000  }
0x44: {  	[sflag:s22] =	ssyncset.done $0x0  }
0x45: {  	s11 =	sadd.s32 $0x800, s14;
	[sflag:s22] =	ssyncadd.s32 $0xFFFFC000  }
0x46: {  	[hbm4b:s11+s3] =	stream.linear.scatter [tilespmem:s30], [sflag:$0xC], $0x4000, $0x38;
	[tilespmem:$0x1E400] =	vst v63  }
0x47: {  	_ =	swait.ge [sflag:s25], $0x4000  }
0x48: {  	[sflag:s25] =	ssyncset.done $0x0  }
0x49: {  	s9 =	simm.s32 $0x400;
	[sflag:s25] =	ssyncadd.s32 $0xFFFFC000  }
0x4a: {  	[tilespmem:s20], [sflag:$0x3] =	stream.indirect.gather [hbm4b:s2+s16], $0x80, s9, s16, $0xb8;
	[tilespmem:$0x1E400] =	vst v63  }
0x4b: {  	_ =	swait.ge [sflag:s21], $0x4000  }
0x4c: {  	[sflag:s21] =	ssyncset.done $0x0  }
0x4d: {  	s10 =	sadd.s32 $0x1000, s14;
	[sflag:s21] =	ssyncadd.s32 $0xFFFFC000  }
0x4e: {  	[hbm4b:s10+s3] =	stream.linear.scatter [tilespmem:s17], [sflag:$0x7], $0x4000, $0x38;
	[tilespmem:$0x1E400] =	vst v63  }
0x4f: {  	_ =	swait.ge [sflag:s29], $0x4000  }
0x50: {  	[sflag:s29] =	ssyncset.done $0x0  }
0x51: {  	s11 =	simm.s32 $0x480;
	[sflag:s29] =	ssyncadd.s32 $0xFFFFC000  }
0x52: {  	[tilespmem:s23], [sflag:$0x4] =	stream.indirect.gather [hbm4b:s2+s16], $0x80, s11, s16, $0xb8;
	[tilespmem:$0x1E400] =	vst v63  }
0x53: {  	_ =	swait.ge [sflag:s24], $0x4000  }
0x54: {  	[sflag:s24] =	ssyncset.done $0x0  }
0x55: {  	s9 =	sadd.s32 $0x1800, s14;
	[sflag:s24] =	ssyncadd.s32 $0xFFFFC000  }
0x56: {  	[hbm4b:s9+s3] =	stream.linear.scatter [tilespmem:s18], [sflag:$0x8], $0x4000, $0x38;
	[tilespmem:$0x1E400] =	vst v63  }
0x57: {  	_ =	swait.ge [sflag:s4], $0x4000  }
0x58: {  	[sflag:s4] =	ssyncset.done $0x0  }
0x59: {  	s10 =	simm.s32 $0x500;
	[sflag:s4] =	ssyncadd.s32 $0xFFFFC000  }
0x5a: {  	[tilespmem:s26], [sflag:$0x5] =	stream.indirect.gather [hbm4b:s2+s16], $0x80, s10, s16, $0xb8;
	[tilespmem:$0x1E400] =	vst v63  }
0x5b: {  	_ =	swait.ge [sflag:s28], $0x4000  }
0x5c: {  	[sflag:s28] =	ssyncset.done $0x0  }
0x5d: {  	s11 =	sadd.s32 $0x2000, s14;
	[sflag:s28] =	ssyncadd.s32 $0xFFFFC000  }
0x5e: {  	[hbm4b:s11+s3] =	stream.linear.scatter [tilespmem:s20], [sflag:$0x9], $0x4000, $0x38;
	[tilespmem:$0x1E400] =	vst v63  }
0x5f: {  	_ =	swait.ge [sflag:s6], $0x4000  }
0x60: {  	s8 =	simm.s32 $0xC00;
	[sflag:s6] =	ssyncset.done $0x0  }
0x61: {  	s9 =	sadd.s32 $0x3000, s14;
	s10 =	simm.s32 $0x580;
	[sflag:s6] =	ssyncadd.s32 $0xFFFFC000  }
.LBB2_2:
0x62: {  	[tilespmem:s30], [sflag:$0x6] =	stream.indirect.gather [hbm4b:s2+s16], $0x80, s10, s16, $0xb8;
	[tilespmem:$0x1E400] =	vst v63  }
0x63: {  	s10 =	smov.u32 s8  }
0x64: {  	p0 =	sne.s32 s8, $0x17400;
	s8 =	sadd.s32 $0xC00, s8;
	_ =	swait.ge [sflag:s31], $0x4000  }
0x65: {  	[sflag:s31] =	ssyncset.done $0x0  }
0x66: {  	s11 =	sadd.s32 $0xFFFFF800, s9;
	[sflag:s31] =	ssyncadd.s32 $0xFFFFC000  }
0x67: {  	[hbm4b:s11+s3] =	stream.linear.scatter [tilespmem:s23], [sflag:$0xA], $0x4000, $0x38;
	[tilespmem:$0x1E400] =	vst v63  }
0x68: {  	_ =	swait.ge [sflag:s1], $0x4000  }
0x69: {  	s10 =	sshra.s32 s10, $0x2;
	[sflag:s1] =	ssyncset.done $0x0  }
0x6a: {  	s11 =	sadd.s32 $0x300, s10;
	[sflag:s1] =	ssyncadd.s32 $0xFFFFC000  }
0x6b: {  	[tilespmem:s17], [sflag:$0x1] =	stream.indirect.gather [hbm4b:s2+s16], $0x80, s11, s16, $0xb8;
	[tilespmem:$0x1E400] =	vst v63  }
0x6c: {  	_ =	swait.ge [sflag:s0], $0x4000  }
0x6d: {  	[sflag:s0] =	ssyncset.done $0x0  }
0x6e: {  	[sflag:s0] =	ssyncadd.s32 $0xFFFFC000  }
0x6f: {  	[hbm4b:s9+s3] =	stream.linear.scatter [tilespmem:s26], [sflag:$0xB], $0x4000, $0x38;
	[tilespmem:$0x1E400] =	vst v63  }
0x70: {  	_ =	swait.ge [sflag:s19], $0x4000  }
0x71: {  	[sflag:s19] =	ssyncset.done $0x0  }
0x72: {  	s11 =	sadd.s32 $0x380, s10;
	[sflag:s19] =	ssyncadd.s32 $0xFFFFC000  }
0x73: {  	[tilespmem:s18], [sflag:$0x2] =	stream.indirect.gather [hbm4b:s2+s16], $0x80, s11, s16, $0xb8;
	[tilespmem:$0x1E400] =	vst v63  }
0x74: {  	_ =	swait.ge [sflag:s22], $0x4000  }
0x75: {  	[sflag:s22] =	ssyncset.done $0x0  }
0x76: {  	s11 =	sadd.s32 $0x800, s9;
	[sflag:s22] =	ssyncadd.s32 $0xFFFFC000  }
0x77: {  	[hbm4b:s11+s3] =	stream.linear.scatter [tilespmem:s30], [sflag:$0xC], $0x4000, $0x38;
	[tilespmem:$0x1E400] =	vst v63  }
0x78: {  	_ =	swait.ge [sflag:s25], $0x4000  }
0x79: {  	[sflag:s25] =	ssyncset.done $0x0  }
0x7a: {  	s11 =	sadd.s32 $0x400, s10;
	[sflag:s25] =	ssyncadd.s32 $0xFFFFC000  }
0x7b: {  	[tilespmem:s20], [sflag:$0x3] =	stream.indirect.gather [hbm4b:s2+s16], $0x80, s11, s16, $0xb8;
	[tilespmem:$0x1E400] =	vst v63  }
0x7c: {  	_ =	swait.ge [sflag:s21], $0x4000  }
0x7d: {  	[sflag:s21] =	ssyncset.done $0x0  }
0x7e: {  	s11 =	sadd.s32 $0x1000, s9;
	[sflag:s21] =	ssyncadd.s32 $0xFFFFC000  }
0x7f: {  	[hbm4b:s11+s3] =	stream.linear.scatter [tilespmem:s17], [sflag:$0x7], $0x4000, $0x38;
	[tilespmem:$0x1E400] =	vst v63  }
0x80: {  	_ =	swait.ge [sflag:s29], $0x4000  }
0x81: {  	[sflag:s29] =	ssyncset.done $0x0  }
0x82: {  	s11 =	sadd.s32 $0x480, s10;
	[sflag:s29] =	ssyncadd.s32 $0xFFFFC000  }
0x83: {  	[tilespmem:s23], [sflag:$0x4] =	stream.indirect.gather [hbm4b:s2+s16], $0x80, s11, s16, $0xb8;
	[tilespmem:$0x1E400] =	vst v63  }
0x84: {  	_ =	swait.ge [sflag:s24], $0x4000  }
0x85: {  	[sflag:s24] =	ssyncset.done $0x0  }
0x86: {  	s11 =	sadd.s32 $0x1800, s9;
	[sflag:s24] =	ssyncadd.s32 $0xFFFFC000  }
0x87: {  	[hbm4b:s11+s3] =	stream.linear.scatter [tilespmem:s18], [sflag:$0x8], $0x4000, $0x38;
	[tilespmem:$0x1E400] =	vst v63  }
0x88: {  	_ =	swait.ge [sflag:s4], $0x4000  }
0x89: {  	[sflag:s4] =	ssyncset.done $0x0  }
0x8a: {  	s11 =	sadd.s32 $0x500, s10;
	[sflag:s4] =	ssyncadd.s32 $0xFFFFC000  }
0x8b: {  	[tilespmem:s26], [sflag:$0x5] =	stream.indirect.gather [hbm4b:s2+s16], $0x80, s11, s16, $0xb8;
	[tilespmem:$0x1E400] =	vst v63  }
0x8c: {  	_ =	swait.ge [sflag:s28], $0x4000  }
0x8d: {  	[sflag:s28] =	ssyncset.done $0x0  }
.Ltmp0:
0x8e: {  	s11 =	sadd.s32 $0x2000, s9;
	[sflag:s28] =	ssyncadd.s32 $0xFFFFC000;
	(pc) =	sbr.rel @p0 .LBB2_2-.Ltmp0, $4  }
0x8f: {  	[hbm4b:s11+s3] =	stream.linear.scatter [tilespmem:s20], [sflag:$0x9], $0x4000, $0x38;
	[tilespmem:$0x1E400] =	vst v63  }
0x90: {  	_ =	swait.ge [sflag:s6], $0x4000  }
0x91: {  	[sflag:s6] =	ssyncset.done $0x0  }
0x92: {  	s10 =	sadd.s32 $0x580, s10;
	s9 =	sadd.s32 $0x3000, s9;
	[sflag:s6] =	ssyncadd.s32 $0xFFFFC000  }
0x93: {  	[tilespmem:s30], [sflag:$0x6] =	stream.indirect.gather [hbm4b:s2+s16], $0x80, s10, s16, $0xb8;
	[tilespmem:$0x1E400] =	vst v63  }
0x94: {  	_ =	swait.ge [sflag:s31], $0x4000  }
0x95: {  	[sflag:s31] =	ssyncset.done $0x0  }
0x96: {  	s8 =	rddreg [dreg:$0x7];
	[sflag:s31] =	ssyncadd.s32 $0xFFFFC000  }
0x97: {  	[hbm4b:s8+s3] =	stream.linear.scatter [tilespmem:s23], [sflag:$0xA], $0x4000, $0x38;
	[tilespmem:$0x1E400] =	vst v63  }
0x98: {  	_ =	swait.ge [sflag:s1], $0x4000  }
0x99: {  	[sflag:s1] =	ssyncset.done $0x0  }
0x9a: {  	s10 =	simm.s32 $0x6300;
	[sflag:s1] =	ssyncadd.s32 $0xFFFFC000  }
0x9b: {  	[tilespmem:s17], [sflag:$0x1] =	stream.indirect.gather [hbm4b:s2+s16], $0x80, s10, s16, $0xb8;
	[tilespmem:$0x1E400] =	vst v63  }
0x9c: {  	_ =	swait.ge [sflag:s0], $0x4000  }
0x9d: {  	[sflag:s0] =	ssyncset.done $0x0  }
0x9e: {  	s11 =	rddreg [dreg:$0x8];
	[sflag:s0] =	ssyncadd.s32 $0xFFFFC000  }
0x9f: {  	[hbm4b:s11+s3] =	stream.linear.scatter [tilespmem:s26], [sflag:$0xB], $0x4000, $0x38;
	[tilespmem:$0x1E400] =	vst v63  }
0xa0: {  	_ =	swait.ge [sflag:s19], $0x4000  }
0xa1: {  	[sflag:s19] =	ssyncset.done $0x0  }
0xa2: {  	s9 =	simm.s32 $0x6380;
	[sflag:s19] =	ssyncadd.s32 $0xFFFFC000  }
0xa3: {  	[tilespmem:s18], [sflag:$0x2] =	stream.indirect.gather [hbm4b:s2+s16], $0x80, s9, s16, $0xb8;
	[tilespmem:$0x1E400] =	vst v63  }
0xa4: {  	_ =	swait.ge [sflag:s22], $0x4000  }
0xa5: {  	[sflag:s22] =	ssyncset.done $0x0  }
0xa6: {  	s10 =	rddreg [dreg:$0x9];
	[sflag:s22] =	ssyncadd.s32 $0xFFFFC000  }
0xa7: {  	[hbm4b:s10+s3] =	stream.linear.scatter [tilespmem:s30], [sflag:$0xC], $0x4000, $0x38;
	[tilespmem:$0x1E400] =	vst v63  }
0xa8: {  	_ =	swait.ge [sflag:s25], $0x4000  }
0xa9: {  	[sflag:s25] =	ssyncset.done $0x0  }
0xaa: {  	[sflag:s25] =	ssyncadd.s32 $0xFFFFC000  }
0xab: {  	_ =	swait.ge [sflag:s21], $0x4000  }
0xac: {  	[sflag:s21] =	ssyncset.done $0x0  }
0xad: {  	s11 =	rddreg [dreg:$0xa];
	[sflag:s21] =	ssyncadd.s32 $0xFFFFC000  }
0xae: {  	[hbm4b:s11+s3] =	stream.linear.scatter [tilespmem:s17], [sflag:$0x7], $0x4000, $0x38;
	[tilespmem:$0x1E400] =	vst v63  }
0xaf: {  	_ =	swait.ge [sflag:s29], $0x4000  }
0xb0: {  	[sflag:s29] =	ssyncset.done $0x0  }
0xb1: {  	[sflag:s29] =	ssyncadd.s32 $0xFFFFC000  }
0xb2: {  	_ =	swait.ge [sflag:s24], $0x4000  }
0xb3: {  	[sflag:s24] =	ssyncset.done $0x0  }
0xb4: {  	[sflag:s24] =	ssyncadd.s32 $0xFFFFC000  }
0xb5: {  	[hbm4b:s12+s3] =	stream.linear.scatter [tilespmem:s18], [sflag:$0x8], $0x4000, $0x38;
	[tilespmem:$0x1E400] =	vst v63  }
0xb6: {  	_ =	swait.ge [sflag:s4], $0x4000  }
0xb7: {  	[sflag:s4] =	ssyncset.done $0x0  }
0xb8: {  	[sflag:s4] =	ssyncadd.s32 $0xFFFFC000  }
0xb9: {  	_ =	swait.ge [sflag:s6], $0x4000  }
0xba: {  	[sflag:s6] =	ssyncset.done $0x0  }
0xbb: {  	s7 =	sadd.s32 $0x1, s7;
	[sflag:s6] =	ssyncadd.s32 $0xFFFFC000  }
0xbc: {  	p0 =	sne.s32 s7, s13;
	_ =	swait.ge [sflag:s1], $0x4000  }
.Ltmp1:
0xbd: {  	[sflag:s1] =	ssyncset.done $0x0;
	(pc) =	sbr.rel @p0 .LBB2_1-.Ltmp1, $4  }
0xbe: {  	[sflag:s1] =	ssyncadd.s32 $0xFFFFC000  }
0xbf: {  	_ =	swait.ge [sflag:s19], $0x4000  }
0xc0: {  	[sflag:s19] =	ssyncset.done $0x0  }
0xc1: {  	[sflag:s19] =	ssyncadd.s32 $0xFFFFC000  }
0xc2: {  	_ =	sfence.sel $0x180000  }
0xc3: {  	[bflag:$0x0] =	sbarrier.arrive $0xFFFF  }
0xc4: {  	_ =	strace $0x90000047  }
0xc5: {  	s0 =	stileid.u32;
	[bflag:$0x2] =	sbarrier.arrive $0xFFFF  }
0xc6: {  	p0 =	sne.s32 s0, $0x0;
	s0 =	rddreg [dreg:$0x3]  }
0xc7: {  	s0 =	sadd.s32 @!p0 $0x100000, s0  }
0xc8: {  	[sflag:s0] =	ssyncadd.tile.s32 @!p0 $0x1;
	_ =	shalt  }
.Lfunc_end2:
_tile_overlayer_lowered:
.L_overlay_start_2:
0xc9: {  	(tag) =	ssettag $0x2  }
0xca: {  	s0 =	rddreg [dreg:$0x0];
	s2 =	stileid.u32  }
0xcb: {  	s1 =	rddreg [dreg:$0x1];
	p0 =	sne.s32 s2, $0x0  }
0xcc: {  	s3 =	rddreg [dreg:$0x2];
	[bflag:$0x3] =	sbarrier.arrive $0xFFFF;
	s2 =	simm.s32 @!p0 $0x1C0D  }
0xcd: {  	[timem:s3], [sflag:s2] =	dma.local @!p0 [hbm:s0], s1  }
0xce: {  	s0 =	simm.s32 @!p0 $0xD  }
0xcf: {  	_ =	swait.ge @!p0 [sflag:s0], s1  }
0xd0: {  	s1 =	ssub.s32 @!p0 $0x0, s1;
	[sflag:s0] =	ssyncset.done @!p0 $0x0  }
0xd1: {  	[sflag:s0] =	ssyncadd.s32 @!p0 s1  }
0xd2: {  	[bflag:$0x3] =	sbarrier.arrive $0xFFFF  }
0xd3: {  	_ =	shalt  }

</sc_bundles>
